<compile_context>
chip_gen: v7x
topology: tpu7x:2x2x1
jax: 0.10.2.dev20260603
libtpu: 0.0.44.dev20260713+nightly
codegen_flags: <defaults>
</compile_context>

<pallas_src>
import functools

import jax
import jax.numpy as jnp
from jax import lax
from jax.experimental import pallas as pl
from jax.experimental.pallas import tpu as pltpu
from jax.experimental.pallas import tpu_sc as plsc

BATCH = 16384
DIM = 128
TBL_PAD = 1048576
_ROWS = BATCH // 128
_NC = 2
_NS = 16
_NW = _NC * _NS
_B_PER_W = BATCH // _NW
_IDR = _B_PER_W // 128


def _sc_body(uid_hbm, iid_hbm, bu_hbm, bi_hbm, out_hbm,
             uid_v, iid_v, bu_v, bi_v, o_v, sem_ids, sem_g):
    wid = lax.axis_index("s") * _NC + lax.axis_index("c")
    r0 = wid * _IDR

    cu = pltpu.async_copy(uid_hbm.at[pl.ds(r0, _IDR)], uid_v, sem_ids)
    ci = pltpu.async_copy(iid_hbm.at[pl.ds(r0, _IDR)], iid_v, sem_ids)
    cu.wait()
    ci.wait()

    gathers = []
    for j in range(_IDR):
        gathers.append(pltpu.async_copy(bu_hbm.at[uid_v.at[j]], bu_v.at[j], sem_g))
        gathers.append(pltpu.async_copy(bi_hbm.at[iid_v.at[j]], bi_v.at[j], sem_g))
    for c in gathers:
        c.wait()

    for j in range(_IDR):
        for c in range(8):
            s16 = pl.ds(c * 16, 16)
            o_v[j, s16] = bu_v[j, s16] + bi_v[j, s16]

    pltpu.sync_copy(o_v, out_hbm.at[pl.ds(r0, _IDR)])


_sc_gather = functools.partial(
    pl.kernel,
    out_type=jax.ShapeDtypeStruct((_ROWS, 128), jnp.float32),
    mesh=plsc.VectorSubcoreMesh(core_axis_name="c", subcore_axis_name="s",
                                num_cores=_NC, num_subcores=_NS),
    scratch_types=[
        pltpu.VMEM((_IDR, 128), jnp.int32),
        pltpu.VMEM((_IDR, 128), jnp.int32),
        pltpu.VMEM((_IDR, 128), jnp.float32),
        pltpu.VMEM((_IDR, 128), jnp.float32),
        pltpu.VMEM((_IDR, 128), jnp.float32),
        pltpu.SemaphoreType.DMA,
        pltpu.SemaphoreType.DMA,
    ],
)(_sc_body)


def _tc_body(f_ref, w_ref, b_ref, o_ref):
    acc = jnp.sum(f_ref[...] * w_ref[...], axis=2)
    o_ref[...] = acc + b_ref[0, 0]


def _tc_matvec(f3, fc_w3, fc_b2):
    grid = (4,)
    rb = _ROWS // grid[0]
    return pl.pallas_call(
        _tc_body,
        grid=grid,
        in_specs=[
            pl.BlockSpec((rb, 128, DIM), lambda i: (i, 0, 0)),
            pl.BlockSpec((1, 1, DIM), lambda i: (0, 0, 0)),
            pl.BlockSpec(memory_space=pltpu.SMEM),
        ],
        out_specs=pl.BlockSpec((rb, 128), lambda i: (i, 0)),
        out_shape=jax.ShapeDtypeStruct((_ROWS, 128), jnp.float32),
    )(f3, fc_w3, fc_b2)


def _tc_add_body(a_ref, b_ref, o_ref):
    o_ref[...] = a_ref[...] + b_ref[...]


def _tc_add(a2, b2):
    return pl.pallas_call(
        _tc_add_body,
        out_shape=jax.ShapeDtypeStruct((_ROWS, 128), jnp.float32),
    )(a2, b2)


def kernel(feature, user_id, item_id, fc_w, fc_b, b_users, b_items):
    uid2 = user_id.reshape(_ROWS, 128)
    iid2 = item_id.reshape(_ROWS, 128)
    bu_flat = jnp.pad(b_users, ((0, TBL_PAD - b_users.shape[0]), (0, 0))).reshape(-1)
    bi_flat = jnp.pad(b_items, ((0, TBL_PAD - b_items.shape[0]), (0, 0))).reshape(-1)
    g2 = _sc_gather(uid2, iid2, bu_flat, bi_flat)
    f3 = feature.reshape(_ROWS, 128, DIM)
    fc2 = _tc_matvec(f3, fc_w.reshape(1, 1, DIM), fc_b.reshape(1, 1))
    out2 = _tc_add(fc2, g2)
    return out2.reshape(BATCH)

# --- scband reference (transcript-rebuilt; emitter-appended) ---
"""Pipeline reference for scband-lfm-29076928594443 (READ-ONLY COPY).

The authoritative reference and input builder live on the scoring server;
editing this copy changes nothing except your own understanding.
"""

import jax, jax.numpy as jnp
import numpy as np

DIM = 128
USER_NUM = 1000000
ITEM_NUM = 1000000
BATCH = 16384


def setup_inputs(seed: int = 0) -> dict:
    key = jax.random.key(seed)
    k1, k2, k3, k4, k5, k6, k7 = jax.random.split(key, 7)
    feature = jax.random.normal(k1, (BATCH, DIM), dtype=jnp.float32)
    user_id = jax.random.randint(k2, (BATCH,), 0, USER_NUM, dtype=jnp.int32)
    item_id = jax.random.randint(k3, (BATCH,), 0, ITEM_NUM, dtype=jnp.int32)
    # learned parameters, matching torch init
    fc_w = jax.random.uniform(k4, (1, DIM), dtype=jnp.float32, minval=-0.1, maxval=0.1)
    fc_b = jax.random.uniform(k5, (1,), dtype=jnp.float32, minval=0.5, maxval=1.5)
    b_users = jax.random.uniform(k6, (USER_NUM, 1), dtype=jnp.float32, minval=0.5, maxval=1.5)
    b_items = jax.random.normal(k7, (ITEM_NUM, 1), dtype=jnp.float32)
    return {
        "feature": feature,
        "user_id": user_id,
        "item_id": item_id,
        "fc_w": fc_w,
        "fc_b": fc_b,
        "b_users": b_users,
        "b_items": b_items,
    }


def reference(feature, user_id, item_id, fc_w, fc_b, b_users, b_items):
    # out = self.fc(feature) + self.b_users[user_id] + self.b_items[item_id]
    fc_out = feature @ fc_w.T + fc_b  # [B, 1]
    bu = jnp.take(b_users, user_id, axis=0)  # [B, 1] gather
    bi = jnp.take(b_items, item_id, axis=0)  # [B, 1] gather
    out = fc_out + bu + bi
    return jnp.squeeze(out, axis=1)

if __name__ == "__main__":
    import jax
    _d = setup_inputs()
    print(jax.jit(kernel)(*tuple(_d.values())))

</pallas_src>

<mosaic_0001>
#map = affine_map<(d0, d1) -> (0, 0)>
#map1 = affine_map<(d0, d1) -> (0)>
module attributes {stable_mosaic.version = 14 : i64} {
  func.func @_sc_body(%arg0: i32, %arg1: i32, %arg2: memref<128x128xi32, #tpu.memory_space<hbm>>, %arg3: memref<128x128xi32, #tpu.memory_space<hbm>>, %arg4: memref<1048576xf32, #tpu.memory_space<hbm>>, %arg5: memref<1048576xf32, #tpu.memory_space<hbm>>, %arg6: memref<128x128xf32, #tpu.memory_space<hbm>>, %arg7: memref<4x128xi32, #tpu.memory_space<vmem>>, %arg8: memref<4x128xi32, #tpu.memory_space<vmem>>, %arg9: memref<4x128xf32, #tpu.memory_space<vmem>>, %arg10: memref<4x128xf32, #tpu.memory_space<vmem>>, %arg11: memref<4x128xf32, #tpu.memory_space<vmem>>, %arg12: memref<!tpu.dma_semaphore, #tpu.memory_space<semaphore_mem>>, %arg13: memref<!tpu.dma_semaphore, #tpu.memory_space<semaphore_mem>>) attributes {dimension_semantics = [#tpu.dimension_semantics<core_parallel>, #tpu.dimension_semantics<subcore_parallel>], iteration_bounds = array<i64: 2, 16>, scalar_prefetch = 0 : i64, scratch_operands = 7 : i64, tpu.core_type = #tpu.core_type<sc_vector_subcore>, window_params = [{transform_indices = #map}, {transform_indices = #map}, {transform_indices = #map1}, {transform_indices = #map1}, {transform_indices = #map}]} {
    %mul3A = arith.constant 2 : i32
    %mul3A_0 = arith.muli %arg1, %mul3A : i32
    %add3A = arith.addi %mul3A_0, %arg0 : i32
    %mul3A_1 = arith.constant 4 : i32
    %mul3A_2 = arith.muli %add3A, %mul3A_1 : i32
    %dma_start3A = arith.constant 0 : i32
    %dma_start3A_3 = tpu.memref_slice %arg2[%mul3A_2, %dma_start3A] : memref<128x128xi32, #tpu.memory_space<hbm>> -> memref<4x128xi32, #tpu.memory_space<hbm>>
    %dma_start3A_4 = arith.constant 0 : i32
    %dma_start3A_5 = tpu.memref_slice %arg2[%mul3A_2, %dma_start3A_4] : memref<128x128xi32, #tpu.memory_space<hbm>> -> memref<4x128xi32, #tpu.memory_space<hbm>>
    tpu.enqueue_dma source(%dma_start3A_5 : memref<4x128xi32, #tpu.memory_space<hbm>>) target(%arg7 : memref<4x128xi32, #tpu.memory_space<vmem>>) target_semaphore(%arg12 : memref<!tpu.dma_semaphore, #tpu.memory_space<semaphore_mem>>)
    %dma_start3A_6 = arith.constant 0 : i32
    %dma_start3A_7 = tpu.memref_slice %arg3[%mul3A_2, %dma_start3A_6] : memref<128x128xi32, #tpu.memory_space<hbm>> -> memref<4x128xi32, #tpu.memory_space<hbm>>
    %dma_start3A_8 = arith.constant 0 : i32
    %dma_start3A_9 = tpu.memref_slice %arg3[%mul3A_2, %dma_start3A_8] : memref<128x128xi32, #tpu.memory_space<hbm>> -> memref<4x128xi32, #tpu.memory_space<hbm>>
    tpu.enqueue_dma source(%dma_start3A_9 : memref<4x128xi32, #tpu.memory_space<hbm>>) target(%arg8 : memref<4x128xi32, #tpu.memory_space<vmem>>) target_semaphore(%arg12 : memref<!tpu.dma_semaphore, #tpu.memory_space<semaphore_mem>>)
    %dma_wait3A = arith.constant 0 : i32
    %dma_wait3A_10 = tpu.memref_slice %arg2[%mul3A_2, %dma_wait3A] : memref<128x128xi32, #tpu.memory_space<hbm>> -> memref<4x128xi32, #tpu.memory_space<hbm>>
    %dma_wait3A_11 = arith.constant 0 : i32
    %dma_wait3A_12 = tpu.memref_slice %arg2[%mul3A_2, %dma_wait3A_11] : memref<128x128xi32, #tpu.memory_space<hbm>> -> memref<4x128xi32, #tpu.memory_space<hbm>>
    tpu.wait_dma2 semaphore(%arg12 : memref<!tpu.dma_semaphore, #tpu.memory_space<semaphore_mem>>) src(%dma_wait3A_12 : memref<4x128xi32, #tpu.memory_space<hbm>>) dst(%arg7 : memref<4x128xi32, #tpu.memory_space<vmem>>)
    %dma_wait3A_13 = arith.constant 0 : i32
    %dma_wait3A_14 = tpu.memref_slice %arg3[%mul3A_2, %dma_wait3A_13] : memref<128x128xi32, #tpu.memory_space<hbm>> -> memref<4x128xi32, #tpu.memory_space<hbm>>
    %dma_wait3A_15 = arith.constant 0 : i32
    %dma_wait3A_16 = tpu.memref_slice %arg3[%mul3A_2, %dma_wait3A_15] : memref<128x128xi32, #tpu.memory_space<hbm>> -> memref<4x128xi32, #tpu.memory_space<hbm>>
    tpu.wait_dma2 semaphore(%arg12 : memref<!tpu.dma_semaphore, #tpu.memory_space<semaphore_mem>>) src(%dma_wait3A_16 : memref<4x128xi32, #tpu.memory_space<hbm>>) dst(%arg8 : memref<4x128xi32, #tpu.memory_space<vmem>>)
    %dma_start3A_17 = arith.constant 0 : i32
    %dma_start3A_18 = arith.constant 0 : i32
    %dma_start3A_19 = arith.constant 0 : i32
    %dma_start3A_20 = tpu.memref_slice %arg9[%dma_start3A_18, %dma_start3A_19] : memref<4x128xf32, #tpu.memory_space<vmem>> -> memref<1x128xf32, #tpu.memory_space<vmem>>
    %dma_start3A_21 = tpu.memref_squeeze %dma_start3A_20 : memref<1x128xf32, #tpu.memory_space<vmem>> -> memref<128xf32, #tpu.memory_space<vmem>>
    %dma_start3A_22 = arith.constant 0 : i32
    %dma_start3A_23 = tpu.memref_slice %arg7[%dma_start3A_17, %dma_start3A_22] : memref<4x128xi32, #tpu.memory_space<vmem>> -> memref<1x128xi32, #tpu.memory_space<vmem>>
    %dma_start3A_24 = tpu.memref_squeeze %dma_start3A_23 : memref<1x128xi32, #tpu.memory_space<vmem>> -> memref<128xi32, #tpu.memory_space<vmem>>
    %dma_start3A_25 = arith.constant 0 : i32
    %dma_start3A_26 = tpu.memref_slice %arg4[%dma_start3A_25] : memref<1048576xf32, #tpu.memory_space<hbm>> -> memref<1048576xf32, #tpu.memory_space<hbm>>
    tpu.enqueue_indirect_dma source(%dma_start3A_26 : memref<1048576xf32, #tpu.memory_space<hbm>>) target(%dma_start3A_21 : memref<128xf32, #tpu.memory_space<vmem>>) offsets(%dma_start3A_24 : memref<128xi32, #tpu.memory_space<vmem>>) semaphore(%arg13 : memref<!tpu.dma_semaphore, #tpu.memory_space<semaphore_mem>>)
    %dma_start3A_27 = arith.constant 0 : i32
    %dma_start3A_28 = arith.constant 0 : i32
    %dma_start3A_29 = arith.constant 0 : i32
    %dma_start3A_30 = tpu.memref_slice %arg10[%dma_start3A_28, %dma_start3A_29] : memref<4x128xf32, #tpu.memory_space<vmem>> -> memref<1x128xf32, #tpu.memory_space<vmem>>
    %dma_start3A_31 = tpu.memref_squeeze %dma_start3A_30 : memref<1x128xf32, #tpu.memory_space<vmem>> -> memref<128xf32, #tpu.memory_space<vmem>>
    %dma_start3A_32 = arith.constant 0 : i32
    %dma_start3A_33 = tpu.memref_slice %arg8[%dma_start3A_27, %dma_start3A_32] : memref<4x128xi32, #tpu.memory_space<vmem>> -> memref<1x128xi32, #tpu.memory_space<vmem>>
    %dma_start3A_34 = tpu.memref_squeeze %dma_start3A_33 : memref<1x128xi32, #tpu.memory_space<vmem>> -> memref<128xi32, #tpu.memory_space<vmem>>
    %dma_start3A_35 = arith.constant 0 : i32
    %dma_start3A_36 = tpu.memref_slice %arg5[%dma_start3A_35] : memref<1048576xf32, #tpu.memory_space<hbm>> -> memref<1048576xf32, #tpu.memory_space<hbm>>
    tpu.enqueue_indirect_dma source(%dma_start3A_36 : memref<1048576xf32, #tpu.memory_space<hbm>>) target(%dma_start3A_31 : memref<128xf32, #tpu.memory_space<vmem>>) offsets(%dma_start3A_34 : memref<128xi32, #tpu.memory_space<vmem>>) semaphore(%arg13 : memref<!tpu.dma_semaphore, #tpu.memory_space<semaphore_mem>>)
    %dma_start3A_37 = arith.constant 1 : i32
    %dma_start3A_38 = arith.constant 1 : i32
    %dma_start3A_39 = arith.constant 0 : i32
    %dma_start3A_40 = tpu.memref_slice %arg9[%dma_start3A_38, %dma_start3A_39] : memref<4x128xf32, #tpu.memory_space<vmem>> -> memref<1x128xf32, #tpu.memory_space<vmem>>
    %dma_start3A_41 = tpu.memref_squeeze %dma_start3A_40 : memref<1x128xf32, #tpu.memory_space<vmem>> -> memref<128xf32, #tpu.memory_space<vmem>>
    %dma_start3A_42 = arith.constant 0 : i32
    %dma_start3A_43 = tpu.memref_slice %arg7[%dma_start3A_37, %dma_start3A_42] : memref<4x128xi32, #tpu.memory_space<vmem>> -> memref<1x128xi32, #tpu.memory_space<vmem>>
    %dma_start3A_44 = tpu.memref_squeeze %dma_start3A_43 : memref<1x128xi32, #tpu.memory_space<vmem>> -> memref<128xi32, #tpu.memory_space<vmem>>
    %dma_start3A_45 = arith.constant 0 : i32
    %dma_start3A_46 = tpu.memref_slice %arg4[%dma_start3A_45] : memref<1048576xf32, #tpu.memory_space<hbm>> -> memref<1048576xf32, #tpu.memory_space<hbm>>
    tpu.enqueue_indirect_dma source(%dma_start3A_46 : memref<1048576xf32, #tpu.memory_space<hbm>>) target(%dma_start3A_41 : memref<128xf32, #tpu.memory_space<vmem>>) offsets(%dma_start3A_44 : memref<128xi32, #tpu.memory_space<vmem>>) semaphore(%arg13 : memref<!tpu.dma_semaphore, #tpu.memory_space<semaphore_mem>>)
    %dma_start3A_47 = arith.constant 1 : i32
    %dma_start3A_48 = arith.constant 1 : i32
    %dma_start3A_49 = arith.constant 0 : i32
    %dma_start3A_50 = tpu.memref_slice %arg10[%dma_start3A_48, %dma_start3A_49] : memref<4x128xf32, #tpu.memory_space<vmem>> -> memref<1x128xf32, #tpu.memory_space<vmem>>
    %dma_start3A_51 = tpu.memref_squeeze %dma_start3A_50 : memref<1x128xf32, #tpu.memory_space<vmem>> -> memref<128xf32, #tpu.memory_space<vmem>>
    %dma_start3A_52 = arith.constant 0 : i32
    %dma_start3A_53 = tpu.memref_slice %arg8[%dma_start3A_47, %dma_start3A_52] : memref<4x128xi32, #tpu.memory_space<vmem>> -> memref<1x128xi32, #tpu.memory_space<vmem>>
    %dma_start3A_54 = tpu.memref_squeeze %dma_start3A_53 : memref<1x128xi32, #tpu.memory_space<vmem>> -> memref<128xi32, #tpu.memory_space<vmem>>
    %dma_start3A_55 = arith.constant 0 : i32
    %dma_start3A_56 = tpu.memref_slice %arg5[%dma_start3A_55] : memref<1048576xf32, #tpu.memory_space<hbm>> -> memref<1048576xf32, #tpu.memory_space<hbm>>
    tpu.enqueue_indirect_dma source(%dma_start3A_56 : memref<1048576xf32, #tpu.memory_space<hbm>>) target(%dma_start3A_51 : memref<128xf32, #tpu.memory_space<vmem>>) offsets(%dma_start3A_54 : memref<128xi32, #tpu.memory_space<vmem>>) semaphore(%arg13 : memref<!tpu.dma_semaphore, #tpu.memory_space<semaphore_mem>>)
    %dma_start3A_57 = arith.constant 2 : i32
    %dma_start3A_58 = arith.constant 2 : i32
    %dma_start3A_59 = arith.constant 0 : i32
    %dma_start3A_60 = tpu.memref_slice %arg9[%dma_start3A_58, %dma_start3A_59] : memref<4x128xf32, #tpu.memory_space<vmem>> -> memref<1x128xf32, #tpu.memory_space<vmem>>
    %dma_start3A_61 = tpu.memref_squeeze %dma_start3A_60 : memref<1x128xf32, #tpu.memory_space<vmem>> -> memref<128xf32, #tpu.memory_space<vmem>>
    %dma_start3A_62 = arith.constant 0 : i32
    %dma_start3A_63 = tpu.memref_slice %arg7[%dma_start3A_57, %dma_start3A_62] : memref<4x128xi32, #tpu.memory_space<vmem>> -> memref<1x128xi32, #tpu.memory_space<vmem>>
    %dma_start3A_64 = tpu.memref_squeeze %dma_start3A_63 : memref<1x128xi32, #tpu.memory_space<vmem>> -> memref<128xi32, #tpu.memory_space<vmem>>
    %dma_start3A_65 = arith.constant 0 : i32
    %dma_start3A_66 = tpu.memref_slice %arg4[%dma_start3A_65] : memref<1048576xf32, #tpu.memory_space<hbm>> -> memref<1048576xf32, #tpu.memory_space<hbm>>
    tpu.enqueue_indirect_dma source(%dma_start3A_66 : memref<1048576xf32, #tpu.memory_space<hbm>>) target(%dma_start3A_61 : memref<128xf32, #tpu.memory_space<vmem>>) offsets(%dma_start3A_64 : memref<128xi32, #tpu.memory_space<vmem>>) semaphore(%arg13 : memref<!tpu.dma_semaphore, #tpu.memory_space<semaphore_mem>>)
    %dma_start3A_67 = arith.constant 2 : i32
    %dma_start3A_68 = arith.constant 2 : i32
    %dma_start3A_69 = arith.constant 0 : i32
    %dma_start3A_70 = tpu.memref_slice %arg10[%dma_start3A_68, %dma_start3A_69] : memref<4x128xf32, #tpu.memory_space<vmem>> -> memref<1x128xf32, #tpu.memory_space<vmem>>
    %dma_start3A_71 = tpu.memref_squeeze %dma_start3A_70 : memref<1x128xf32, #tpu.memory_space<vmem>> -> memref<128xf32, #tpu.memory_space<vmem>>
    %dma_start3A_72 = arith.constant 0 : i32
    %dma_start3A_73 = tpu.memref_slice %arg8[%dma_start3A_67, %dma_start3A_72] : memref<4x128xi32, #tpu.memory_space<vmem>> -> memref<1x128xi32, #tpu.memory_space<vmem>>
    %dma_start3A_74 = tpu.memref_squeeze %dma_start3A_73 : memref<1x128xi32, #tpu.memory_space<vmem>> -> memref<128xi32, #tpu.memory_space<vmem>>
    %dma_start3A_75 = arith.constant 0 : i32
    %dma_start3A_76 = tpu.memref_slice %arg5[%dma_start3A_75] : memref<1048576xf32, #tpu.memory_space<hbm>> -> memref<1048576xf32, #tpu.memory_space<hbm>>
    tpu.enqueue_indirect_dma source(%dma_start3A_76 : memref<1048576xf32, #tpu.memory_space<hbm>>) target(%dma_start3A_71 : memref<128xf32, #tpu.memory_space<vmem>>) offsets(%dma_start3A_74 : memref<128xi32, #tpu.memory_space<vmem>>) semaphore(%arg13 : memref<!tpu.dma_semaphore, #tpu.memory_space<semaphore_mem>>)
    %dma_start3A_77 = arith.constant 3 : i32
    %dma_start3A_78 = arith.constant 3 : i32
    %dma_start3A_79 = arith.constant 0 : i32
    %dma_start3A_80 = tpu.memref_slice %arg9[%dma_start3A_78, %dma_start3A_79] : memref<4x128xf32, #tpu.memory_space<vmem>> -> memref<1x128xf32, #tpu.memory_space<vmem>>
    %dma_start3A_81 = tpu.memref_squeeze %dma_start3A_80 : memref<1x128xf32, #tpu.memory_space<vmem>> -> memref<128xf32, #tpu.memory_space<vmem>>
    %dma_start3A_82 = arith.constant 0 : i32
    %dma_start3A_83 = tpu.memref_slice %arg7[%dma_start3A_77, %dma_start3A_82] : memref<4x128xi32, #tpu.memory_space<vmem>> -> memref<1x128xi32, #tpu.memory_space<vmem>>
    %dma_start3A_84 = tpu.memref_squeeze %dma_start3A_83 : memref<1x128xi32, #tpu.memory_space<vmem>> -> memref<128xi32, #tpu.memory_space<vmem>>
    %dma_start3A_85 = arith.constant 0 : i32
    %dma_start3A_86 = tpu.memref_slice %arg4[%dma_start3A_85] : memref<1048576xf32, #tpu.memory_space<hbm>> -> memref<1048576xf32, #tpu.memory_space<hbm>>
    tpu.enqueue_indirect_dma source(%dma_start3A_86 : memref<1048576xf32, #tpu.memory_space<hbm>>) target(%dma_start3A_81 : memref<128xf32, #tpu.memory_space<vmem>>) offsets(%dma_start3A_84 : memref<128xi32, #tpu.memory_space<vmem>>) semaphore(%arg13 : memref<!tpu.dma_semaphore, #tpu.memory_space<semaphore_mem>>)
    %dma_start3A_87 = arith.constant 3 : i32
    %dma_start3A_88 = arith.constant 3 : i32
    %dma_start3A_89 = arith.constant 0 : i32
    %dma_start3A_90 = tpu.memref_slice %arg10[%dma_start3A_88, %dma_start3A_89] : memref<4x128xf32, #tpu.memory_space<vmem>> -> memref<1x128xf32, #tpu.memory_space<vmem>>
    %dma_start3A_91 = tpu.memref_squeeze %dma_start3A_90 : memref<1x128xf32, #tpu.memory_space<vmem>> -> memref<128xf32, #tpu.memory_space<vmem>>
    %dma_start3A_92 = arith.constant 0 : i32
    %dma_start3A_93 = tpu.memref_slice %arg8[%dma_start3A_87, %dma_start3A_92] : memref<4x128xi32, #tpu.memory_space<vmem>> -> memref<1x128xi32, #tpu.memory_space<vmem>>
    %dma_start3A_94 = tpu.memref_squeeze %dma_start3A_93 : memref<1x128xi32, #tpu.memory_space<vmem>> -> memref<128xi32, #tpu.memory_space<vmem>>
    %dma_start3A_95 = arith.constant 0 : i32
    %dma_start3A_96 = tpu.memref_slice %arg5[%dma_start3A_95] : memref<1048576xf32, #tpu.memory_space<hbm>> -> memref<1048576xf32, #tpu.memory_space<hbm>>
    tpu.enqueue_indirect_dma source(%dma_start3A_96 : memref<1048576xf32, #tpu.memory_space<hbm>>) target(%dma_start3A_91 : memref<128xf32, #tpu.memory_space<vmem>>) offsets(%dma_start3A_94 : memref<128xi32, #tpu.memory_space<vmem>>) semaphore(%arg13 : memref<!tpu.dma_semaphore, #tpu.memory_space<semaphore_mem>>)
    %dma_wait3A_97 = arith.constant 0 : i32
    %dma_wait3A_98 = arith.constant 0 : i32
    %dma_wait3A_99 = arith.constant 0 : i32
    %dma_wait3A_100 = tpu.memref_slice %arg9[%dma_wait3A_98, %dma_wait3A_99] : memref<4x128xf32, #tpu.memory_space<vmem>> -> memref<1x128xf32, #tpu.memory_space<vmem>>
    %dma_wait3A_101 = tpu.memref_squeeze %dma_wait3A_100 : memref<1x128xf32, #tpu.memory_space<vmem>> -> memref<128xf32, #tpu.memory_space<vmem>>
    %dma_wait3A_102 = arith.constant 0 : i32
    %dma_wait3A_103 = tpu.memref_slice %arg7[%dma_wait3A_97, %dma_wait3A_102] : memref<4x128xi32, #tpu.memory_space<vmem>> -> memref<1x128xi32, #tpu.memory_space<vmem>>
    %dma_wait3A_104 = tpu.memref_squeeze %dma_wait3A_103 : memref<1x128xi32, #tpu.memory_space<vmem>> -> memref<128xi32, #tpu.memory_space<vmem>>
    %dma_wait3A_105 = arith.constant 0 : i32
    %dma_wait3A_106 = tpu.memref_slice %arg4[%dma_wait3A_105] : memref<1048576xf32, #tpu.memory_space<hbm>> -> memref<1048576xf32, #tpu.memory_space<hbm>>
    tpu.wait_indirect_dma semaphore(%arg13 : memref<!tpu.dma_semaphore, #tpu.memory_space<semaphore_mem>>) src(%dma_wait3A_106 : memref<1048576xf32, #tpu.memory_space<hbm>>) dst(%dma_wait3A_101 : memref<128xf32, #tpu.memory_space<vmem>>)
    %dma_wait3A_107 = arith.constant 0 : i32
    %dma_wait3A_108 = arith.constant 0 : i32
    %dma_wait3A_109 = arith.constant 0 : i32
    %dma_wait3A_110 = tpu.memref_slice %arg10[%dma_wait3A_108, %dma_wait3A_109] : memref<4x128xf32, #tpu.memory_space<vmem>> -> memref<1x128xf32, #tpu.memory_space<vmem>>
    %dma_wait3A_111 = tpu.memref_squeeze %dma_wait3A_110 : memref<1x128xf32, #tpu.memory_space<vmem>> -> memref<128xf32, #tpu.memory_space<vmem>>
    %dma_wait3A_112 = arith.constant 0 : i32
    %dma_wait3A_113 = tpu.memref_slice %arg8[%dma_wait3A_107, %dma_wait3A_112] : memref<4x128xi32, #tpu.memory_space<vmem>> -> memref<1x128xi32, #tpu.memory_space<vmem>>
    %dma_wait3A_114 = tpu.memref_squeeze %dma_wait3A_113 : memref<1x128xi32, #tpu.memory_space<vmem>> -> memref<128xi32, #tpu.memory_space<vmem>>
    %dma_wait3A_115 = arith.constant 0 : i32
    %dma_wait3A_116 = tpu.memref_slice %arg5[%dma_wait3A_115] : memref<1048576xf32, #tpu.memory_space<hbm>> -> memref<1048576xf32, #tpu.memory_space<hbm>>
    tpu.wait_indirect_dma semaphore(%arg13 : memref<!tpu.dma_semaphore, #tpu.memory_space<semaphore_mem>>) src(%dma_wait3A_116 : memref<1048576xf32, #tpu.memory_space<hbm>>) dst(%dma_wait3A_111 : memref<128xf32, #tpu.memory_space<vmem>>)
    %dma_wait3A_117 = arith.constant 1 : i32
    %dma_wait3A_118 = arith.constant 1 : i32
    %dma_wait3A_119 = arith.constant 0 : i32
    %dma_wait3A_120 = tpu.memref_slice %arg9[%dma_wait3A_118, %dma_wait3A_119] : memref<4x128xf32, #tpu.memory_space<vmem>> -> memref<1x128xf32, #tpu.memory_space<vmem>>
    %dma_wait3A_121 = tpu.memref_squeeze %dma_wait3A_120 : memref<1x128xf32, #tpu.memory_space<vmem>> -> memref<128xf32, #tpu.memory_space<vmem>>
    %dma_wait3A_122 = arith.constant 0 : i32
    %dma_wait3A_123 = tpu.memref_slice %arg7[%dma_wait3A_117, %dma_wait3A_122] : memref<4x128xi32, #tpu.memory_space<vmem>> -> memref<1x128xi32, #tpu.memory_space<vmem>>
    %dma_wait3A_124 = tpu.memref_squeeze %dma_wait3A_123 : memref<1x128xi32, #tpu.memory_space<vmem>> -> memref<128xi32, #tpu.memory_space<vmem>>
    %dma_wait3A_125 = arith.constant 0 : i32
    %dma_wait3A_126 = tpu.memref_slice %arg4[%dma_wait3A_125] : memref<1048576xf32, #tpu.memory_space<hbm>> -> memref<1048576xf32, #tpu.memory_space<hbm>>
    tpu.wait_indirect_dma semaphore(%arg13 : memref<!tpu.dma_semaphore, #tpu.memory_space<semaphore_mem>>) src(%dma_wait3A_126 : memref<1048576xf32, #tpu.memory_space<hbm>>) dst(%dma_wait3A_121 : memref<128xf32, #tpu.memory_space<vmem>>)
    %dma_wait3A_127 = arith.constant 1 : i32
    %dma_wait3A_128 = arith.constant 1 : i32
    %dma_wait3A_129 = arith.constant 0 : i32
    %dma_wait3A_130 = tpu.memref_slice %arg10[%dma_wait3A_128, %dma_wait3A_129] : memref<4x128xf32, #tpu.memory_space<vmem>> -> memref<1x128xf32, #tpu.memory_space<vmem>>
    %dma_wait3A_131 = tpu.memref_squeeze %dma_wait3A_130 : memref<1x128xf32, #tpu.memory_space<vmem>> -> memref<128xf32, #tpu.memory_space<vmem>>
    %dma_wait3A_132 = arith.constant 0 : i32
    %dma_wait3A_133 = tpu.memref_slice %arg8[%dma_wait3A_127, %dma_wait3A_132] : memref<4x128xi32, #tpu.memory_space<vmem>> -> memref<1x128xi32, #tpu.memory_space<vmem>>
    %dma_wait3A_134 = tpu.memref_squeeze %dma_wait3A_133 : memref<1x128xi32, #tpu.memory_space<vmem>> -> memref<128xi32, #tpu.memory_space<vmem>>
    %dma_wait3A_135 = arith.constant 0 : i32
    %dma_wait3A_136 = tpu.memref_slice %arg5[%dma_wait3A_135] : memref<1048576xf32, #tpu.memory_space<hbm>> -> memref<1048576xf32, #tpu.memory_space<hbm>>
    tpu.wait_indirect_dma semaphore(%arg13 : memref<!tpu.dma_semaphore, #tpu.memory_space<semaphore_mem>>) src(%dma_wait3A_136 : memref<1048576xf32, #tpu.memory_space<hbm>>) dst(%dma_wait3A_131 : memref<128xf32, #tpu.memory_space<vmem>>)
    %dma_wait3A_137 = arith.constant 2 : i32
    %dma_wait3A_138 = arith.constant 2 : i32
    %dma_wait3A_139 = arith.constant 0 : i32
    %dma_wait3A_140 = tpu.memref_slice %arg9[%dma_wait3A_138, %dma_wait3A_139] : memref<4x128xf32, #tpu.memory_space<vmem>> -> memref<1x128xf32, #tpu.memory_space<vmem>>
    %dma_wait3A_141 = tpu.memref_squeeze %dma_wait3A_140 : memref<1x128xf32, #tpu.memory_space<vmem>> -> memref<128xf32, #tpu.memory_space<vmem>>
    %dma_wait3A_142 = arith.constant 0 : i32
    %dma_wait3A_143 = tpu.memref_slice %arg7[%dma_wait3A_137, %dma_wait3A_142] : memref<4x128xi32, #tpu.memory_space<vmem>> -> memref<1x128xi32, #tpu.memory_space<vmem>>
    %dma_wait3A_144 = tpu.memref_squeeze %dma_wait3A_143 : memref<1x128xi32, #tpu.memory_space<vmem>> -> memref<128xi32, #tpu.memory_space<vmem>>
    %dma_wait3A_145 = arith.constant 0 : i32
    %dma_wait3A_146 = tpu.memref_slice %arg4[%dma_wait3A_145] : memref<1048576xf32, #tpu.memory_space<hbm>> -> memref<1048576xf32, #tpu.memory_space<hbm>>
    tpu.wait_indirect_dma semaphore(%arg13 : memref<!tpu.dma_semaphore, #tpu.memory_space<semaphore_mem>>) src(%dma_wait3A_146 : memref<1048576xf32, #tpu.memory_space<hbm>>) dst(%dma_wait3A_141 : memref<128xf32, #tpu.memory_space<vmem>>)
    %dma_wait3A_147 = arith.constant 2 : i32
    %dma_wait3A_148 = arith.constant 2 : i32
    %dma_wait3A_149 = arith.constant 0 : i32
    %dma_wait3A_150 = tpu.memref_slice %arg10[%dma_wait3A_148, %dma_wait3A_149] : memref<4x128xf32, #tpu.memory_space<vmem>> -> memref<1x128xf32, #tpu.memory_space<vmem>>
    %dma_wait3A_151 = tpu.memref_squeeze %dma_wait3A_150 : memref<1x128xf32, #tpu.memory_space<vmem>> -> memref<128xf32, #tpu.memory_space<vmem>>
    %dma_wait3A_152 = arith.constant 0 : i32
    %dma_wait3A_153 = tpu.memref_slice %arg8[%dma_wait3A_147, %dma_wait3A_152] : memref<4x128xi32, #tpu.memory_space<vmem>> -> memref<1x128xi32, #tpu.memory_space<vmem>>
    %dma_wait3A_154 = tpu.memref_squeeze %dma_wait3A_153 : memref<1x128xi32, #tpu.memory_space<vmem>> -> memref<128xi32, #tpu.memory_space<vmem>>
    %dma_wait3A_155 = arith.constant 0 : i32
    %dma_wait3A_156 = tpu.memref_slice %arg5[%dma_wait3A_155] : memref<1048576xf32, #tpu.memory_space<hbm>> -> memref<1048576xf32, #tpu.memory_space<hbm>>
    tpu.wait_indirect_dma semaphore(%arg13 : memref<!tpu.dma_semaphore, #tpu.memory_space<semaphore_mem>>) src(%dma_wait3A_156 : memref<1048576xf32, #tpu.memory_space<hbm>>) dst(%dma_wait3A_151 : memref<128xf32, #tpu.memory_space<vmem>>)
    %dma_wait3A_157 = arith.constant 3 : i32
    %dma_wait3A_158 = arith.constant 3 : i32
    %dma_wait3A_159 = arith.constant 0 : i32
    %dma_wait3A_160 = tpu.memref_slice %arg9[%dma_wait3A_158, %dma_wait3A_159] : memref<4x128xf32, #tpu.memory_space<vmem>> -> memref<1x128xf32, #tpu.memory_space<vmem>>
    %dma_wait3A_161 = tpu.memref_squeeze %dma_wait3A_160 : memref<1x128xf32, #tpu.memory_space<vmem>> -> memref<128xf32, #tpu.memory_space<vmem>>
    %dma_wait3A_162 = arith.constant 0 : i32
    %dma_wait3A_163 = tpu.memref_slice %arg7[%dma_wait3A_157, %dma_wait3A_162] : memref<4x128xi32, #tpu.memory_space<vmem>> -> memref<1x128xi32, #tpu.memory_space<vmem>>
    %dma_wait3A_164 = tpu.memref_squeeze %dma_wait3A_163 : memref<1x128xi32, #tpu.memory_space<vmem>> -> memref<128xi32, #tpu.memory_space<vmem>>
    %dma_wait3A_165 = arith.constant 0 : i32
    %dma_wait3A_166 = tpu.memref_slice %arg4[%dma_wait3A_165] : memref<1048576xf32, #tpu.memory_space<hbm>> -> memref<1048576xf32, #tpu.memory_space<hbm>>
    tpu.wait_indirect_dma semaphore(%arg13 : memref<!tpu.dma_semaphore, #tpu.memory_space<semaphore_mem>>) src(%dma_wait3A_166 : memref<1048576xf32, #tpu.memory_space<hbm>>) dst(%dma_wait3A_161 : memref<128xf32, #tpu.memory_space<vmem>>)
    %dma_wait3A_167 = arith.constant 3 : i32
    %dma_wait3A_168 = arith.constant 3 : i32
    %dma_wait3A_169 = arith.constant 0 : i32
    %dma_wait3A_170 = tpu.memref_slice %arg10[%dma_wait3A_168, %dma_wait3A_169] : memref<4x128xf32, #tpu.memory_space<vmem>> -> memref<1x128xf32, #tpu.memory_space<vmem>>
    %dma_wait3A_171 = tpu.memref_squeeze %dma_wait3A_170 : memref<1x128xf32, #tpu.memory_space<vmem>> -> memref<128xf32, #tpu.memory_space<vmem>>
    %dma_wait3A_172 = arith.constant 0 : i32
    %dma_wait3A_173 = tpu.memref_slice %arg8[%dma_wait3A_167, %dma_wait3A_172] : memref<4x128xi32, #tpu.memory_space<vmem>> -> memref<1x128xi32, #tpu.memory_space<vmem>>
    %dma_wait3A_174 = tpu.memref_squeeze %dma_wait3A_173 : memref<1x128xi32, #tpu.memory_space<vmem>> -> memref<128xi32, #tpu.memory_space<vmem>>
    %dma_wait3A_175 = arith.constant 0 : i32
    %dma_wait3A_176 = tpu.memref_slice %arg5[%dma_wait3A_175] : memref<1048576xf32, #tpu.memory_space<hbm>> -> memref<1048576xf32, #tpu.memory_space<hbm>>
    tpu.wait_indirect_dma semaphore(%arg13 : memref<!tpu.dma_semaphore, #tpu.memory_space<semaphore_mem>>) src(%dma_wait3A_176 : memref<1048576xf32, #tpu.memory_space<hbm>>) dst(%dma_wait3A_171 : memref<128xf32, #tpu.memory_space<vmem>>)
    %get3A = arith.constant 0 : i32
    %get3A_177 = arith.index_cast %get3A : i32 to index
    %get3A_178 = arith.constant 0 : index
    %get3A_179 = tpu.vector_load %arg9[%get3A_177, %get3A_178] {strides = array<i32>} : memref<4x128xf32, #tpu.memory_space<vmem>>, vector<1x16xf32>,
    %get3A_180 = vector.shape_cast %get3A_179 : vector<1x16xf32> to vector<16xf32>
    %get3A_181 = arith.constant 0 : i32
    %get3A_182 = arith.index_cast %get3A_181 : i32 to index
    %get3A_183 = arith.constant 0 : index
    %get3A_184 = tpu.vector_load %arg10[%get3A_182, %get3A_183] {strides = array<i32>} : memref<4x128xf32, #tpu.memory_space<vmem>>, vector<1x16xf32>,
    %get3A_185 = vector.shape_cast %get3A_184 : vector<1x16xf32> to vector<16xf32>
    %add3A_186 = arith.addf %get3A_180, %get3A_185 : vector<16xf32>
    %swap3A = arith.constant 0 : i32
    %swap3A_187 = arith.index_cast %swap3A : i32 to index
    %swap3A_188 = arith.constant 0 : index
    %swap3A_189 = tpu.vector_load %arg11[%swap3A_187, %swap3A_188] {strides = array<i32>} : memref<4x128xf32, #tpu.memory_space<vmem>>, vector<1x16xf32>,
    %swap3A_190 = vector.shape_cast %swap3A_189 : vector<1x16xf32> to vector<16xf32>
    %swap3A_191 = vector.shape_cast %add3A_186 : vector<16xf32> to vector<1x16xf32>
    tpu.vector_store %arg11[%swap3A_187, %swap3A_188], %swap3A_191 {strides = array<i32>} : memref<4x128xf32, #tpu.memory_space<vmem>>, vector<1x16xf32>,
    %get3A_192 = arith.constant 0 : i32
    %get3A_193 = arith.index_cast %get3A_192 : i32 to index
    %get3A_194 = arith.constant 16 : index
    %get3A_195 = tpu.vector_load %arg9[%get3A_193, %get3A_194] {strides = array<i32>} : memref<4x128xf32, #tpu.memory_space<vmem>>, vector<1x16xf32>,
    %get3A_196 = vector.shape_cast %get3A_195 : vector<1x16xf32> to vector<16xf32>
    %get3A_197 = arith.constant 0 : i32
    %get3A_198 = arith.index_cast %get3A_197 : i32 to index
    %get3A_199 = arith.constant 16 : index
    %get3A_200 = tpu.vector_load %arg10[%get3A_198, %get3A_199] {strides = array<i32>} : memref<4x128xf32, #tpu.memory_space<vmem>>, vector<1x16xf32>,
    %get3A_201 = vector.shape_cast %get3A_200 : vector<1x16xf32> to vector<16xf32>
    %add3A_202 = arith.addf %get3A_196, %get3A_201 : vector<16xf32>
    %swap3A_203 = arith.constant 0 : i32
    %swap3A_204 = arith.index_cast %swap3A_203 : i32 to index
    %swap3A_205 = arith.constant 16 : index
    %swap3A_206 = tpu.vector_load %arg11[%swap3A_204, %swap3A_205] {strides = array<i32>} : memref<4x128xf32, #tpu.memory_space<vmem>>, vector<1x16xf32>,
    %swap3A_207 = vector.shape_cast %swap3A_206 : vector<1x16xf32> to vector<16xf32>
    %swap3A_208 = vector.shape_cast %add3A_202 : vector<16xf32> to vector<1x16xf32>
    tpu.vector_store %arg11[%swap3A_204, %swap3A_205], %swap3A_208 {strides = array<i32>} : memref<4x128xf32, #tpu.memory_space<vmem>>, vector<1x16xf32>,
    %get3A_209 = arith.constant 0 : i32
    %get3A_210 = arith.index_cast %get3A_209 : i32 to index
    %get3A_211 = arith.constant 32 : index
    %get3A_212 = tpu.vector_load %arg9[%get3A_210, %get3A_211] {strides = array<i32>} : memref<4x128xf32, #tpu.memory_space<vmem>>, vector<1x16xf32>,
    %get3A_213 = vector.shape_cast %get3A_212 : vector<1x16xf32> to vector<16xf32>
    %get3A_214 = arith.constant 0 : i32
    %get3A_215 = arith.index_cast %get3A_214 : i32 to index
    %get3A_216 = arith.constant 32 : index
    %get3A_217 = tpu.vector_load %arg10[%get3A_215, %get3A_216] {strides = array<i32>} : memref<4x128xf32, #tpu.memory_space<vmem>>, vector<1x16xf32>,
    %get3A_218 = vector.shape_cast %get3A_217 : vector<1x16xf32> to vector<16xf32>
    %add3A_219 = arith.addf %get3A_213, %get3A_218 : vector<16xf32>
    %swap3A_220 = arith.constant 0 : i32
    %swap3A_221 = arith.index_cast %swap3A_220 : i32 to index
    %swap3A_222 = arith.constant 32 : index
    %swap3A_223 = tpu.vector_load %arg11[%swap3A_221, %swap3A_222] {strides = array<i32>} : memref<4x128xf32, #tpu.memory_space<vmem>>, vector<1x16xf32>,
    %swap3A_224 = vector.shape_cast %swap3A_223 : vector<1x16xf32> to vector<16xf32>
    %swap3A_225 = vector.shape_cast %add3A_219 : vector<16xf32> to vector<1x16xf32>
    tpu.vector_store %arg11[%swap3A_221, %swap3A_222], %swap3A_225 {strides = array<i32>} : memref<4x128xf32, #tpu.memory_space<vmem>>, vector<1x16xf32>,
    %get3A_226 = arith.constant 0 : i32
    %get3A_227 = arith.index_cast %get3A_226 : i32 to index
    %get3A_228 = arith.constant 48 : index
    %get3A_229 = tpu.vector_load %arg9[%get3A_227, %get3A_228] {strides = array<i32>} : memref<4x128xf32, #tpu.memory_space<vmem>>, vector<1x16xf32>,
    %get3A_230 = vector.shape_cast %get3A_229 : vector<1x16xf32> to vector<16xf32>
    %get3A_231 = arith.constant 0 : i32
    %get3A_232 = arith.index_cast %get3A_231 : i32 to index
    %get3A_233 = arith.constant 48 : index
    %get3A_234 = tpu.vector_load %arg10[%get3A_232, %get3A_233] {strides = array<i32>} : memref<4x128xf32, #tpu.memory_space<vmem>>, vector<1x16xf32>,
    %get3A_235 = vector.shape_cast %get3A_234 : vector<1x16xf32> to vector<16xf32>
    %add3A_236 = arith.addf %get3A_230, %get3A_235 : vector<16xf32>
    %swap3A_237 = arith.constant 0 : i32
    %swap3A_238 = arith.index_cast %swap3A_237 : i32 to index
    %swap3A_239 = arith.constant 48 : index
    %swap3A_240 = tpu.vector_load %arg11[%swap3A_238, %swap3A_239] {strides = array<i32>} : memref<4x128xf32, #tpu.memory_space<vmem>>, vector<1x16xf32>,
    %swap3A_241 = vector.shape_cast %swap3A_240 : vector<1x16xf32> to vector<16xf32>
    %swap3A_242 = vector.shape_cast %add3A_236 : vector<16xf32> to vector<1x16xf32>
    tpu.vector_store %arg11[%swap3A_238, %swap3A_239], %swap3A_242 {strides = array<i32>} : memref<4x128xf32, #tpu.memory_space<vmem>>, vector<1x16xf32>,
    %get3A_243 = arith.constant 0 : i32
    %get3A_244 = arith.index_cast %get3A_243 : i32 to index
    %get3A_245 = arith.constant 64 : index
    %get3A_246 = tpu.vector_load %arg9[%get3A_244, %get3A_245] {strides = array<i32>} : memref<4x128xf32, #tpu.memory_space<vmem>>, vector<1x16xf32>,
    %get3A_247 = vector.shape_cast %get3A_246 : vector<1x16xf32> to vector<16xf32>
    %get3A_248 = arith.constant 0 : i32
    %get3A_249 = arith.index_cast %get3A_248 : i32 to index
    %get3A_250 = arith.constant 64 : index
    %get3A_251 = tpu.vector_load %arg10[%get3A_249, %get3A_250] {strides = array<i32>} : memref<4x128xf32, #tpu.memory_space<vmem>>, vector<1x16xf32>,
    %get3A_252 = vector.shape_cast %get3A_251 : vector<1x16xf32> to vector<16xf32>
    %add3A_253 = arith.addf %get3A_247, %get3A_252 : vector<16xf32>
    %swap3A_254 = arith.constant 0 : i32
    %swap3A_255 = arith.index_cast %swap3A_254 : i32 to index
    %swap3A_256 = arith.constant 64 : index
    %swap3A_257 = tpu.vector_load %arg11[%swap3A_255, %swap3A_256] {strides = array<i32>} : memref<4x128xf32, #tpu.memory_space<vmem>>, vector<1x16xf32>,
    %swap3A_258 = vector.shape_cast %swap3A_257 : vector<1x16xf32> to vector<16xf32>
    %swap3A_259 = vector.shape_cast %add3A_253 : vector<16xf32> to vector<1x16xf32>
    tpu.vector_store %arg11[%swap3A_255, %swap3A_256], %swap3A_259 {strides = array<i32>} : memref<4x128xf32, #tpu.memory_space<vmem>>, vector<1x16xf32>,
    %get3A_260 = arith.constant 0 : i32
    %get3A_261 = arith.index_cast %get3A_260 : i32 to index
    %get3A_262 = arith.constant 80 : index
    %get3A_263 = tpu.vector_load %arg9[%get3A_261, %get3A_262] {strides = array<i32>} : memref<4x128xf32, #tpu.memory_space<vmem>>, vector<1x16xf32>,
    %get3A_264 = vector.shape_cast %get3A_263 : vector<1x16xf32> to vector<16xf32>
    %get3A_265 = arith.constant 0 : i32
    %get3A_266 = arith.index_cast %get3A_265 : i32 to index
    %get3A_267 = arith.constant 80 : index
    %get3A_268 = tpu.vector_load %arg10[%get3A_266, %get3A_267] {strides = array<i32>} : memref<4x128xf32, #tpu.memory_space<vmem>>, vector<1x16xf32>,
    %get3A_269 = vector.shape_cast %get3A_268 : vector<1x16xf32> to vector<16xf32>
    %add3A_270 = arith.addf %get3A_264, %get3A_269 : vector<16xf32>
    %swap3A_271 = arith.constant 0 : i32
    %swap3A_272 = arith.index_cast %swap3A_271 : i32 to index
    %swap3A_273 = arith.constant 80 : index
    %swap3A_274 = tpu.vector_load %arg11[%swap3A_272, %swap3A_273] {strides = array<i32>} : memref<4x128xf32, #tpu.memory_space<vmem>>, vector<1x16xf32>,
    %swap3A_275 = vector.shape_cast %swap3A_274 : vector<1x16xf32> to vector<16xf32>
    %swap3A_276 = vector.shape_cast %add3A_270 : vector<16xf32> to vector<1x16xf32>
    tpu.vector_store %arg11[%swap3A_272, %swap3A_273], %swap3A_276 {strides = array<i32>} : memref<4x128xf32, #tpu.memory_space<vmem>>, vector<1x16xf32>,
    %get3A_277 = arith.constant 0 : i32
    %get3A_278 = arith.index_cast %get3A_277 : i32 to index
    %get3A_279 = arith.constant 96 : index
    %get3A_280 = tpu.vector_load %arg9[%get3A_278, %get3A_279] {strides = array<i32>} : memref<4x128xf32, #tpu.memory_space<vmem>>, vector<1x16xf32>,
    %get3A_281 = vector.shape_cast %get3A_280 : vector<1x16xf32> to vector<16xf32>
    %get3A_282 = arith.constant 0 : i32
    %get3A_283 = arith.index_cast %get3A_282 : i32 to index
    %get3A_284 = arith.constant 96 : index
    %get3A_285 = tpu.vector_load %arg10[%get3A_283, %get3A_284] {strides = array<i32>} : memref<4x128xf32, #tpu.memory_space<vmem>>, vector<1x16xf32>,
    %get3A_286 = vector.shape_cast %get3A_285 : vector<1x16xf32> to vector<16xf32>
    %add3A_287 = arith.addf %get3A_281, %get3A_286 : vector<16xf32>
    %swap3A_288 = arith.constant 0 : i32
    %swap3A_289 = arith.index_cast %swap3A_288 : i32 to index
    %swap3A_290 = arith.constant 96 : index
    %swap3A_291 = tpu.vector_load %arg11[%swap3A_289, %swap3A_290] {strides = array<i32>} : memref<4x128xf32, #tpu.memory_space<vmem>>, vector<1x16xf32>,
    %swap3A_292 = vector.shape_cast %swap3A_291 : vector<1x16xf32> to vector<16xf32>
    %swap3A_293 = vector.shape_cast %add3A_287 : vector<16xf32> to vector<1x16xf32>
    tpu.vector_store %arg11[%swap3A_289, %swap3A_290], %swap3A_293 {strides = array<i32>} : memref<4x128xf32, #tpu.memory_space<vmem>>, vector<1x16xf32>,
    %get3A_294 = arith.constant 0 : i32
    %get3A_295 = arith.index_cast %get3A_294 : i32 to index
    %get3A_296 = arith.constant 112 : index
    %get3A_297 = tpu.vector_load %arg9[%get3A_295, %get3A_296] {strides = array<i32>} : memref<4x128xf32, #tpu.memory_space<vmem>>, vector<1x16xf32>,
    %get3A_298 = vector.shape_cast %get3A_297 : vector<1x16xf32> to vector<16xf32>
    %get3A_299 = arith.constant 0 : i32
    %get3A_300 = arith.index_cast %get3A_299 : i32 to index
    %get3A_301 = arith.constant 112 : index
    %get3A_302 = tpu.vector_load %arg10[%get3A_300, %get3A_301] {strides = array<i32>} : memref<4x128xf32, #tpu.memory_space<vmem>>, vector<1x16xf32>,
    %get3A_303 = vector.shape_cast %get3A_302 : vector<1x16xf32> to vector<16xf32>
    %add3A_304 = arith.addf %get3A_298, %get3A_303 : vector<16xf32>
    %swap3A_305 = arith.constant 0 : i32
    %swap3A_306 = arith.index_cast %swap3A_305 : i32 to index
    %swap3A_307 = arith.constant 112 : index
    %swap3A_308 = tpu.vector_load %arg11[%swap3A_306, %swap3A_307] {strides = array<i32>} : memref<4x128xf32, #tpu.memory_space<vmem>>, vector<1x16xf32>,
    %swap3A_309 = vector.shape_cast %swap3A_308 : vector<1x16xf32> to vector<16xf32>
    %swap3A_310 = vector.shape_cast %add3A_304 : vector<16xf32> to vector<1x16xf32>
    tpu.vector_store %arg11[%swap3A_306, %swap3A_307], %swap3A_310 {strides = array<i32>} : memref<4x128xf32, #tpu.memory_space<vmem>>, vector<1x16xf32>,
    %get3A_311 = arith.constant 1 : i32
    %get3A_312 = arith.index_cast %get3A_311 : i32 to index
    %get3A_313 = arith.constant 0 : index
    %get3A_314 = tpu.vector_load %arg9[%get3A_312, %get3A_313] {strides = array<i32>} : memref<4x128xf32, #tpu.memory_space<vmem>>, vector<1x16xf32>,
    %get3A_315 = vector.shape_cast %get3A_314 : vector<1x16xf32> to vector<16xf32>
    %get3A_316 = arith.constant 1 : i32
    %get3A_317 = arith.index_cast %get3A_316 : i32 to index
    %get3A_318 = arith.constant 0 : index
    %get3A_319 = tpu.vector_load %arg10[%get3A_317, %get3A_318] {strides = array<i32>} : memref<4x128xf32, #tpu.memory_space<vmem>>, vector<1x16xf32>,
    %get3A_320 = vector.shape_cast %get3A_319 : vector<1x16xf32> to vector<16xf32>
    %add3A_321 = arith.addf %get3A_315, %get3A_320 : vector<16xf32>
    %swap3A_322 = arith.constant 1 : i32
    %swap3A_323 = arith.index_cast %swap3A_322 : i32 to index
    %swap3A_324 = arith.constant 0 : index
    %swap3A_325 = tpu.vector_load %arg11[%swap3A_323, %swap3A_324] {strides = array<i32>} : memref<4x128xf32, #tpu.memory_space<vmem>>, vector<1x16xf32>,
    %swap3A_326 = vector.shape_cast %swap3A_325 : vector<1x16xf32> to vector<16xf32>
    %swap3A_327 = vector.shape_cast %add3A_321 : vector<16xf32> to vector<1x16xf32>
    tpu.vector_store %arg11[%swap3A_323, %swap3A_324], %swap3A_327 {strides = array<i32>} : memref<4x128xf32, #tpu.memory_space<vmem>>, vector<1x16xf32>,
    %get3A_328 = arith.constant 1 : i32
    %get3A_329 = arith.index_cast %get3A_328 : i32 to index
    %get3A_330 = arith.constant 16 : index
    %get3A_331 = tpu.vector_load %arg9[%get3A_329, %get3A_330] {strides = array<i32>} : memref<4x128xf32, #tpu.memory_space<vmem>>, vector<1x16xf32>,
    %get3A_332 = vector.shape_cast %get3A_331 : vector<1x16xf32> to vector<16xf32>
    %get3A_333 = arith.constant 1 : i32
    %get3A_334 = arith.index_cast %get3A_333 : i32 to index
    %get3A_335 = arith.constant 16 : index
    %get3A_336 = tpu.vector_load %arg10[%get3A_334, %get3A_335] {strides = array<i32>} : memref<4x128xf32, #tpu.memory_space<vmem>>, vector<1x16xf32>,
    %get3A_337 = vector.shape_cast %get3A_336 : vector<1x16xf32> to vector<16xf32>
    %add3A_338 = arith.addf %get3A_332, %get3A_337 : vector<16xf32>
    %swap3A_339 = arith.constant 1 : i32
    %swap3A_340 = arith.index_cast %swap3A_339 : i32 to index
    %swap3A_341 = arith.constant 16 : index
    %swap3A_342 = tpu.vector_load %arg11[%swap3A_340, %swap3A_341] {strides = array<i32>} : memref<4x128xf32, #tpu.memory_space<vmem>>, vector<1x16xf32>,
    %swap3A_343 = vector.shape_cast %swap3A_342 : vector<1x16xf32> to vector<16xf32>
    %swap3A_344 = vector.shape_cast %add3A_338 : vector<16xf32> to vector<1x16xf32>
    tpu.vector_store %arg11[%swap3A_340, %swap3A_341], %swap3A_344 {strides = array<i32>} : memref<4x128xf32, #tpu.memory_space<vmem>>, vector<1x16xf32>,
    %get3A_345 = arith.constant 1 : i32
    %get3A_346 = arith.index_cast %get3A_345 : i32 to index
    %get3A_347 = arith.constant 32 : index
    %get3A_348 = tpu.vector_load %arg9[%get3A_346, %get3A_347] {strides = array<i32>} : memref<4x128xf32, #tpu.memory_space<vmem>>, vector<1x16xf32>,
    %get3A_349 = vector.shape_cast %get3A_348 : vector<1x16xf32> to vector<16xf32>
    %get3A_350 = arith.constant 1 : i32
    %get3A_351 = arith.index_cast %get3A_350 : i32 to index
    %get3A_352 = arith.constant 32 : index
    %get3A_353 = tpu.vector_load %arg10[%get3A_351, %get3A_352] {strides = array<i32>} : memref<4x128xf32, #tpu.memory_space<vmem>>, vector<1x16xf32>,
    %get3A_354 = vector.shape_cast %get3A_353 : vector<1x16xf32> to vector<16xf32>
    %add3A_355 = arith.addf %get3A_349, %get3A_354 : vector<16xf32>
    %swap3A_356 = arith.constant 1 : i32
    %swap3A_357 = arith.index_cast %swap3A_356 : i32 to index
    %swap3A_358 = arith.constant 32 : index
    %swap3A_359 = tpu.vector_load %arg11[%swap3A_357, %swap3A_358] {strides = array<i32>} : memref<4x128xf32, #tpu.memory_space<vmem>>, vector<1x16xf32>,
    %swap3A_360 = vector.shape_cast %swap3A_359 : vector<1x16xf32> to vector<16xf32>
    %swap3A_361 = vector.shape_cast %add3A_355 : vector<16xf32> to vector<1x16xf32>
    tpu.vector_store %arg11[%swap3A_357, %swap3A_358], %swap3A_361 {strides = array<i32>} : memref<4x128xf32, #tpu.memory_space<vmem>>, vector<1x16xf32>,
    %get3A_362 = arith.constant 1 : i32
    %get3A_363 = arith.index_cast %get3A_362 : i32 to index
    %get3A_364 = arith.constant 48 : index
    %get3A_365 = tpu.vector_load %arg9[%get3A_363, %get3A_364] {strides = array<i32>} : memref<4x128xf32, #tpu.memory_space<vmem>>, vector<1x16xf32>,
    %get3A_366 = vector.shape_cast %get3A_365 : vector<1x16xf32> to vector<16xf32>
    %get3A_367 = arith.constant 1 : i32
    %get3A_368 = arith.index_cast %get3A_367 : i32 to index
    %get3A_369 = arith.constant 48 : index
    %get3A_370 = tpu.vector_load %arg10[%get3A_368, %get3A_369] {strides = array<i32>} : memref<4x128xf32, #tpu.memory_space<vmem>>, vector<1x16xf32>,
    %get3A_371 = vector.shape_cast %get3A_370 : vector<1x16xf32> to vector<16xf32>
    %add3A_372 = arith.addf %get3A_366, %get3A_371 : vector<16xf32>
    %swap3A_373 = arith.constant 1 : i32
    %swap3A_374 = arith.index_cast %swap3A_373 : i32 to index
    %swap3A_375 = arith.constant 48 : index
    %swap3A_376 = tpu.vector_load %arg11[%swap3A_374, %swap3A_375] {strides = array<i32>} : memref<4x128xf32, #tpu.memory_space<vmem>>, vector<1x16xf32>,
    %swap3A_377 = vector.shape_cast %swap3A_376 : vector<1x16xf32> to vector<16xf32>
    %swap3A_378 = vector.shape_cast %add3A_372 : vector<16xf32> to vector<1x16xf32>
    tpu.vector_store %arg11[%swap3A_374, %swap3A_375], %swap3A_378 {strides = array<i32>} : memref<4x128xf32, #tpu.memory_space<vmem>>, vector<1x16xf32>,
    %get3A_379 = arith.constant 1 : i32
    %get3A_380 = arith.index_cast %get3A_379 : i32 to index
    %get3A_381 = arith.constant 64 : index
    %get3A_382 = tpu.vector_load %arg9[%get3A_380, %get3A_381] {strides = array<i32>} : memref<4x128xf32, #tpu.memory_space<vmem>>, vector<1x16xf32>,
    %get3A_383 = vector.shape_cast %get3A_382 : vector<1x16xf32> to vector<16xf32>
    %get3A_384 = arith.constant 1 : i32
    %get3A_385 = arith.index_cast %get3A_384 : i32 to index
    %get3A_386 = arith.constant 64 : index
    %get3A_387 = tpu.vector_load %arg10[%get3A_385, %get3A_386] {strides = array<i32>} : memref<4x128xf32, #tpu.memory_space<vmem>>, vector<1x16xf32>,
    %get3A_388 = vector.shape_cast %get3A_387 : vector<1x16xf32> to vector<16xf32>
    %add3A_389 = arith.addf %get3A_383, %get3A_388 : vector<16xf32>
    %swap3A_390 = arith.constant 1 : i32
    %swap3A_391 = arith.index_cast %swap3A_390 : i32 to index
    %swap3A_392 = arith.constant 64 : index
    %swap3A_393 = tpu.vector_load %arg11[%swap3A_391, %swap3A_392] {strides = array<i32>} : memref<4x128xf32, #tpu.memory_space<vmem>>, vector<1x16xf32>,
    %swap3A_394 = vector.shape_cast %swap3A_393 : vector<1x16xf32> to vector<16xf32>
    %swap3A_395 = vector.shape_cast %add3A_389 : vector<16xf32> to vector<1x16xf32>
    tpu.vector_store %arg11[%swap3A_391, %swap3A_392], %swap3A_395 {strides = array<i32>} : memref<4x128xf32, #tpu.memory_space<vmem>>, vector<1x16xf32>,
    %get3A_396 = arith.constant 1 : i32
    %get3A_397 = arith.index_cast %get3A_396 : i32 to index
    %get3A_398 = arith.constant 80 : index
    %get3A_399 = tpu.vector_load %arg9[%get3A_397, %get3A_398] {strides = array<i32>} : memref<4x128xf32, #tpu.memory_space<vmem>>, vector<1x16xf32>,
    %get3A_400 = vector.shape_cast %get3A_399 : vector<1x16xf32> to vector<16xf32>
    %get3A_401 = arith.constant 1 : i32
    %get3A_402 = arith.index_cast %get3A_401 : i32 to index
    %get3A_403 = arith.constant 80 : index
    %get3A_404 = tpu.vector_load %arg10[%get3A_402, %get3A_403] {strides = array<i32>} : memref<4x128xf32, #tpu.memory_space<vmem>>, vector<1x16xf32>,
    %get3A_405 = vector.shape_cast %get3A_404 : vector<1x16xf32> to vector<16xf32>
    %add3A_406 = arith.addf %get3A_400, %get3A_405 : vector<16xf32>
    %swap3A_407 = arith.constant 1 : i32
    %swap3A_408 = arith.index_cast %swap3A_407 : i32 to index
    %swap3A_409 = arith.constant 80 : index
    %swap3A_410 = tpu.vector_load %arg11[%swap3A_408, %swap3A_409] {strides = array<i32>} : memref<4x128xf32, #tpu.memory_space<vmem>>, vector<1x16xf32>,
    %swap3A_411 = vector.shape_cast %swap3A_410 : vector<1x16xf32> to vector<16xf32>
    %swap3A_412 = vector.shape_cast %add3A_406 : vector<16xf32> to vector<1x16xf32>
    tpu.vector_store %arg11[%swap3A_408, %swap3A_409], %swap3A_412 {strides = array<i32>} : memref<4x128xf32, #tpu.memory_space<vmem>>, vector<1x16xf32>,
    %get3A_413 = arith.constant 1 : i32
    %get3A_414 = arith.index_cast %get3A_413 : i32 to index
    %get3A_415 = arith.constant 96 : index
    %get3A_416 = tpu.vector_load %arg9[%get3A_414, %get3A_415] {strides = array<i32>} : memref<4x128xf32, #tpu.memory_space<vmem>>, vector<1x16xf32>,
    %get3A_417 = vector.shape_cast %get3A_416 : vector<1x16xf32> to vector<16xf32>
    %get3A_418 = arith.constant 1 : i32
    %get3A_419 = arith.index_cast %get3A_418 : i32 to index
    %get3A_420 = arith.constant 96 : index
    %get3A_421 = tpu.vector_load %arg10[%get3A_419, %get3A_420] {strides = array<i32>} : memref<4x128xf32, #tpu.memory_space<vmem>>, vector<1x16xf32>,
    %get3A_422 = vector.shape_cast %get3A_421 : vector<1x16xf32> to vector<16xf32>
    %add3A_423 = arith.addf %get3A_417, %get3A_422 : vector<16xf32>
    %swap3A_424 = arith.constant 1 : i32
    %swap3A_425 = arith.index_cast %swap3A_424 : i32 to index
    %swap3A_426 = arith.constant 96 : index
    %swap3A_427 = tpu.vector_load %arg11[%swap3A_425, %swap3A_426] {strides = array<i32>} : memref<4x128xf32, #tpu.memory_space<vmem>>, vector<1x16xf32>,
    %swap3A_428 = vector.shape_cast %swap3A_427 : vector<1x16xf32> to vector<16xf32>
    %swap3A_429 = vector.shape_cast %add3A_423 : vector<16xf32> to vector<1x16xf32>
    tpu.vector_store %arg11[%swap3A_425, %swap3A_426], %swap3A_429 {strides = array<i32>} : memref<4x128xf32, #tpu.memory_space<vmem>>, vector<1x16xf32>,
    %get3A_430 = arith.constant 1 : i32
    %get3A_431 = arith.index_cast %get3A_430 : i32 to index
    %get3A_432 = arith.constant 112 : index
    %get3A_433 = tpu.vector_load %arg9[%get3A_431, %get3A_432] {strides = array<i32>} : memref<4x128xf32, #tpu.memory_space<vmem>>, vector<1x16xf32>,
    %get3A_434 = vector.shape_cast %get3A_433 : vector<1x16xf32> to vector<16xf32>
    %get3A_435 = arith.constant 1 : i32
    %get3A_436 = arith.index_cast %get3A_435 : i32 to index
    %get3A_437 = arith.constant 112 : index
    %get3A_438 = tpu.vector_load %arg10[%get3A_436, %get3A_437] {strides = array<i32>} : memref<4x128xf32, #tpu.memory_space<vmem>>, vector<1x16xf32>,
    %get3A_439 = vector.shape_cast %get3A_438 : vector<1x16xf32> to vector<16xf32>
    %add3A_440 = arith.addf %get3A_434, %get3A_439 : vector<16xf32>
    %swap3A_441 = arith.constant 1 : i32
    %swap3A_442 = arith.index_cast %swap3A_441 : i32 to index
    %swap3A_443 = arith.constant 112 : index
    %swap3A_444 = tpu.vector_load %arg11[%swap3A_442, %swap3A_443] {strides = array<i32>} : memref<4x128xf32, #tpu.memory_space<vmem>>, vector<1x16xf32>,
    %swap3A_445 = vector.shape_cast %swap3A_444 : vector<1x16xf32> to vector<16xf32>
    %swap3A_446 = vector.shape_cast %add3A_440 : vector<16xf32> to vector<1x16xf32>
    tpu.vector_store %arg11[%swap3A_442, %swap3A_443], %swap3A_446 {strides = array<i32>} : memref<4x128xf32, #tpu.memory_space<vmem>>, vector<1x16xf32>,
    %get3A_447 = arith.constant 2 : i32
    %get3A_448 = arith.index_cast %get3A_447 : i32 to index
    %get3A_449 = arith.constant 0 : index
    %get3A_450 = tpu.vector_load %arg9[%get3A_448, %get3A_449] {strides = array<i32>} : memref<4x128xf32, #tpu.memory_space<vmem>>, vector<1x16xf32>,
    %get3A_451 = vector.shape_cast %get3A_450 : vector<1x16xf32> to vector<16xf32>
    %get3A_452 = arith.constant 2 : i32
    %get3A_453 = arith.index_cast %get3A_452 : i32 to index
    %get3A_454 = arith.constant 0 : index
    %get3A_455 = tpu.vector_load %arg10[%get3A_453, %get3A_454] {strides = array<i32>} : memref<4x128xf32, #tpu.memory_space<vmem>>, vector<1x16xf32>,
    %get3A_456 = vector.shape_cast %get3A_455 : vector<1x16xf32> to vector<16xf32>
    %add3A_457 = arith.addf %get3A_451, %get3A_456 : vector<16xf32>
    %swap3A_458 = arith.constant 2 : i32
    %swap3A_459 = arith.index_cast %swap3A_458 : i32 to index
    %swap3A_460 = arith.constant 0 : index
    %swap3A_461 = tpu.vector_load %arg11[%swap3A_459, %swap3A_460] {strides = array<i32>} : memref<4x128xf32, #tpu.memory_space<vmem>>, vector<1x16xf32>,
    %swap3A_462 = vector.shape_cast %swap3A_461 : vector<1x16xf32> to vector<16xf32>
    %swap3A_463 = vector.shape_cast %add3A_457 : vector<16xf32> to vector<1x16xf32>
    tpu.vector_store %arg11[%swap3A_459, %swap3A_460], %swap3A_463 {strides = array<i32>} : memref<4x128xf32, #tpu.memory_space<vmem>>, vector<1x16xf32>,
    %get3A_464 = arith.constant 2 : i32
    %get3A_465 = arith.index_cast %get3A_464 : i32 to index
    %get3A_466 = arith.constant 16 : index
    %get3A_467 = tpu.vector_load %arg9[%get3A_465, %get3A_466] {strides = array<i32>} : memref<4x128xf32, #tpu.memory_space<vmem>>, vector<1x16xf32>,
    %get3A_468 = vector.shape_cast %get3A_467 : vector<1x16xf32> to vector<16xf32>
    %get3A_469 = arith.constant 2 : i32
    %get3A_470 = arith.index_cast %get3A_469 : i32 to index
    %get3A_471 = arith.constant 16 : index
    %get3A_472 = tpu.vector_load %arg10[%get3A_470, %get3A_471] {strides = array<i32>} : memref<4x128xf32, #tpu.memory_space<vmem>>, vector<1x16xf32>,
    %get3A_473 = vector.shape_cast %get3A_472 : vector<1x16xf32> to vector<16xf32>
    %add3A_474 = arith.addf %get3A_468, %get3A_473 : vector<16xf32>
    %swap3A_475 = arith.constant 2 : i32
    %swap3A_476 = arith.index_cast %swap3A_475 : i32 to index
    %swap3A_477 = arith.constant 16 : index
    %swap3A_478 = tpu.vector_load %arg11[%swap3A_476, %swap3A_477] {strides = array<i32>} : memref<4x128xf32, #tpu.memory_space<vmem>>, vector<1x16xf32>,
    %swap3A_479 = vector.shape_cast %swap3A_478 : vector<1x16xf32> to vector<16xf32>
    %swap3A_480 = vector.shape_cast %add3A_474 : vector<16xf32> to vector<1x16xf32>
    tpu.vector_store %arg11[%swap3A_476, %swap3A_477], %swap3A_480 {strides = array<i32>} : memref<4x128xf32, #tpu.memory_space<vmem>>, vector<1x16xf32>,
    %get3A_481 = arith.constant 2 : i32
    %get3A_482 = arith.index_cast %get3A_481 : i32 to index
    %get3A_483 = arith.constant 32 : index
    %get3A_484 = tpu.vector_load %arg9[%get3A_482, %get3A_483] {strides = array<i32>} : memref<4x128xf32, #tpu.memory_space<vmem>>, vector<1x16xf32>,
    %get3A_485 = vector.shape_cast %get3A_484 : vector<1x16xf32> to vector<16xf32>
    %get3A_486 = arith.constant 2 : i32
    %get3A_487 = arith.index_cast %get3A_486 : i32 to index
    %get3A_488 = arith.constant 32 : index
    %get3A_489 = tpu.vector_load %arg10[%get3A_487, %get3A_488] {strides = array<i32>} : memref<4x128xf32, #tpu.memory_space<vmem>>, vector<1x16xf32>,
    %get3A_490 = vector.shape_cast %get3A_489 : vector<1x16xf32> to vector<16xf32>
    %add3A_491 = arith.addf %get3A_485, %get3A_490 : vector<16xf32>
    %swap3A_492 = arith.constant 2 : i32
    %swap3A_493 = arith.index_cast %swap3A_492 : i32 to index
    %swap3A_494 = arith.constant 32 : index
    %swap3A_495 = tpu.vector_load %arg11[%swap3A_493, %swap3A_494] {strides = array<i32>} : memref<4x128xf32, #tpu.memory_space<vmem>>, vector<1x16xf32>,
    %swap3A_496 = vector.shape_cast %swap3A_495 : vector<1x16xf32> to vector<16xf32>
    %swap3A_497 = vector.shape_cast %add3A_491 : vector<16xf32> to vector<1x16xf32>
    tpu.vector_store %arg11[%swap3A_493, %swap3A_494], %swap3A_497 {strides = array<i32>} : memref<4x128xf32, #tpu.memory_space<vmem>>, vector<1x16xf32>,
    %get3A_498 = arith.constant 2 : i32
    %get3A_499 = arith.index_cast %get3A_498 : i32 to index
    %get3A_500 = arith.constant 48 : index
    %get3A_501 = tpu.vector_load %arg9[%get3A_499, %get3A_500] {strides = array<i32>} : memref<4x128xf32, #tpu.memory_space<vmem>>, vector<1x16xf32>,
    %get3A_502 = vector.shape_cast %get3A_501 : vector<1x16xf32> to vector<16xf32>
    %get3A_503 = arith.constant 2 : i32
    %get3A_504 = arith.index_cast %get3A_503 : i32 to index
    %get3A_505 = arith.constant 48 : index
    %get3A_506 = tpu.vector_load %arg10[%get3A_504, %get3A_505] {strides = array<i32>} : memref<4x128xf32, #tpu.memory_space<vmem>>, vector<1x16xf32>,
    %get3A_507 = vector.shape_cast %get3A_506 : vector<1x16xf32> to vector<16xf32>
    %add3A_508 = arith.addf %get3A_502, %get3A_507 : vector<16xf32>
    %swap3A_509 = arith.constant 2 : i32
    %swap3A_510 = arith.index_cast %swap3A_509 : i32 to index
    %swap3A_511 = arith.constant 48 : index
    %swap3A_512 = tpu.vector_load %arg11[%swap3A_510, %swap3A_511] {strides = array<i32>} : memref<4x128xf32, #tpu.memory_space<vmem>>, vector<1x16xf32>,
    %swap3A_513 = vector.shape_cast %swap3A_512 : vector<1x16xf32> to vector<16xf32>
    %swap3A_514 = vector.shape_cast %add3A_508 : vector<16xf32> to vector<1x16xf32>
    tpu.vector_store %arg11[%swap3A_510, %swap3A_511], %swap3A_514 {strides = array<i32>} : memref<4x128xf32, #tpu.memory_space<vmem>>, vector<1x16xf32>,
    %get3A_515 = arith.constant 2 : i32
    %get3A_516 = arith.index_cast %get3A_515 : i32 to index
    %get3A_517 = arith.constant 64 : index
    %get3A_518 = tpu.vector_load %arg9[%get3A_516, %get3A_517] {strides = array<i32>} : memref<4x128xf32, #tpu.memory_space<vmem>>, vector<1x16xf32>,
    %get3A_519 = vector.shape_cast %get3A_518 : vector<1x16xf32> to vector<16xf32>
    %get3A_520 = arith.constant 2 : i32
    %get3A_521 = arith.index_cast %get3A_520 : i32 to index
    %get3A_522 = arith.constant 64 : index
    %get3A_523 = tpu.vector_load %arg10[%get3A_521, %get3A_522] {strides = array<i32>} : memref<4x128xf32, #tpu.memory_space<vmem>>, vector<1x16xf32>,
    %get3A_524 = vector.shape_cast %get3A_523 : vector<1x16xf32> to vector<16xf32>
    %add3A_525 = arith.addf %get3A_519, %get3A_524 : vector<16xf32>
    %swap3A_526 = arith.constant 2 : i32
    %swap3A_527 = arith.index_cast %swap3A_526 : i32 to index
    %swap3A_528 = arith.constant 64 : index
    %swap3A_529 = tpu.vector_load %arg11[%swap3A_527, %swap3A_528] {strides = array<i32>} : memref<4x128xf32, #tpu.memory_space<vmem>>, vector<1x16xf32>,
    %swap3A_530 = vector.shape_cast %swap3A_529 : vector<1x16xf32> to vector<16xf32>
    %swap3A_531 = vector.shape_cast %add3A_525 : vector<16xf32> to vector<1x16xf32>
    tpu.vector_store %arg11[%swap3A_527, %swap3A_528], %swap3A_531 {strides = array<i32>} : memref<4x128xf32, #tpu.memory_space<vmem>>, vector<1x16xf32>,
    %get3A_532 = arith.constant 2 : i32
    %get3A_533 = arith.index_cast %get3A_532 : i32 to index
    %get3A_534 = arith.constant 80 : index
    %get3A_535 = tpu.vector_load %arg9[%get3A_533, %get3A_534] {strides = array<i32>} : memref<4x128xf32, #tpu.memory_space<vmem>>, vector<1x16xf32>,
    %get3A_536 = vector.shape_cast %get3A_535 : vector<1x16xf32> to vector<16xf32>
    %get3A_537 = arith.constant 2 : i32
    %get3A_538 = arith.index_cast %get3A_537 : i32 to index
    %get3A_539 = arith.constant 80 : index
    %get3A_540 = tpu.vector_load %arg10[%get3A_538, %get3A_539] {strides = array<i32>} : memref<4x128xf32, #tpu.memory_space<vmem>>, vector<1x16xf32>,
    %get3A_541 = vector.shape_cast %get3A_540 : vector<1x16xf32> to vector<16xf32>
    %add3A_542 = arith.addf %get3A_536, %get3A_541 : vector<16xf32>
    %swap3A_543 = arith.constant 2 : i32
    %swap3A_544 = arith.index_cast %swap3A_543 : i32 to index
    %swap3A_545 = arith.constant 80 : index
    %swap3A_546 = tpu.vector_load %arg11[%swap3A_544, %swap3A_545] {strides = array<i32>} : memref<4x128xf32, #tpu.memory_space<vmem>>, vector<1x16xf32>,
    %swap3A_547 = vector.shape_cast %swap3A_546 : vector<1x16xf32> to vector<16xf32>
    %swap3A_548 = vector.shape_cast %add3A_542 : vector<16xf32> to vector<1x16xf32>
    tpu.vector_store %arg11[%swap3A_544, %swap3A_545], %swap3A_548 {strides = array<i32>} : memref<4x128xf32, #tpu.memory_space<vmem>>, vector<1x16xf32>,
    %get3A_549 = arith.constant 2 : i32
    %get3A_550 = arith.index_cast %get3A_549 : i32 to index
    %get3A_551 = arith.constant 96 : index
    %get3A_552 = tpu.vector_load %arg9[%get3A_550, %get3A_551] {strides = array<i32>} : memref<4x128xf32, #tpu.memory_space<vmem>>, vector<1x16xf32>,
    %get3A_553 = vector.shape_cast %get3A_552 : vector<1x16xf32> to vector<16xf32>
    %get3A_554 = arith.constant 2 : i32
    %get3A_555 = arith.index_cast %get3A_554 : i32 to index
    %get3A_556 = arith.constant 96 : index
    %get3A_557 = tpu.vector_load %arg10[%get3A_555, %get3A_556] {strides = array<i32>} : memref<4x128xf32, #tpu.memory_space<vmem>>, vector<1x16xf32>,
    %get3A_558 = vector.shape_cast %get3A_557 : vector<1x16xf32> to vector<16xf32>
    %add3A_559 = arith.addf %get3A_553, %get3A_558 : vector<16xf32>
    %swap3A_560 = arith.constant 2 : i32
    %swap3A_561 = arith.index_cast %swap3A_560 : i32 to index
    %swap3A_562 = arith.constant 96 : index
    %swap3A_563 = tpu.vector_load %arg11[%swap3A_561, %swap3A_562] {strides = array<i32>} : memref<4x128xf32, #tpu.memory_space<vmem>>, vector<1x16xf32>,
    %swap3A_564 = vector.shape_cast %swap3A_563 : vector<1x16xf32> to vector<16xf32>
    %swap3A_565 = vector.shape_cast %add3A_559 : vector<16xf32> to vector<1x16xf32>
    tpu.vector_store %arg11[%swap3A_561, %swap3A_562], %swap3A_565 {strides = array<i32>} : memref<4x128xf32, #tpu.memory_space<vmem>>, vector<1x16xf32>,
    %get3A_566 = arith.constant 2 : i32
    %get3A_567 = arith.index_cast %get3A_566 : i32 to index
    %get3A_568 = arith.constant 112 : index
    %get3A_569 = tpu.vector_load %arg9[%get3A_567, %get3A_568] {strides = array<i32>} : memref<4x128xf32, #tpu.memory_space<vmem>>, vector<1x16xf32>,
    %get3A_570 = vector.shape_cast %get3A_569 : vector<1x16xf32> to vector<16xf32>
    %get3A_571 = arith.constant 2 : i32
    %get3A_572 = arith.index_cast %get3A_571 : i32 to index
    %get3A_573 = arith.constant 112 : index
    %get3A_574 = tpu.vector_load %arg10[%get3A_572, %get3A_573] {strides = array<i32>} : memref<4x128xf32, #tpu.memory_space<vmem>>, vector<1x16xf32>,
    %get3A_575 = vector.shape_cast %get3A_574 : vector<1x16xf32> to vector<16xf32>
    %add3A_576 = arith.addf %get3A_570, %get3A_575 : vector<16xf32>
    %swap3A_577 = arith.constant 2 : i32
    %swap3A_578 = arith.index_cast %swap3A_577 : i32 to index
    %swap3A_579 = arith.constant 112 : index
    %swap3A_580 = tpu.vector_load %arg11[%swap3A_578, %swap3A_579] {strides = array<i32>} : memref<4x128xf32, #tpu.memory_space<vmem>>, vector<1x16xf32>,
    %swap3A_581 = vector.shape_cast %swap3A_580 : vector<1x16xf32> to vector<16xf32>
    %swap3A_582 = vector.shape_cast %add3A_576 : vector<16xf32> to vector<1x16xf32>
    tpu.vector_store %arg11[%swap3A_578, %swap3A_579], %swap3A_582 {strides = array<i32>} : memref<4x128xf32, #tpu.memory_space<vmem>>, vector<1x16xf32>,
    %get3A_583 = arith.constant 3 : i32
    %get3A_584 = arith.index_cast %get3A_583 : i32 to index
    %get3A_585 = arith.constant 0 : index
    %get3A_586 = tpu.vector_load %arg9[%get3A_584, %get3A_585] {strides = array<i32>} : memref<4x128xf32, #tpu.memory_space<vmem>>, vector<1x16xf32>,
    %get3A_587 = vector.shape_cast %get3A_586 : vector<1x16xf32> to vector<16xf32>
    %get3A_588 = arith.constant 3 : i32
    %get3A_589 = arith.index_cast %get3A_588 : i32 to index
    %get3A_590 = arith.constant 0 : index
    %get3A_591 = tpu.vector_load %arg10[%get3A_589, %get3A_590] {strides = array<i32>} : memref<4x128xf32, #tpu.memory_space<vmem>>, vector<1x16xf32>,
    %get3A_592 = vector.shape_cast %get3A_591 : vector<1x16xf32> to vector<16xf32>
    %add3A_593 = arith.addf %get3A_587, %get3A_592 : vector<16xf32>
    %swap3A_594 = arith.constant 3 : i32
    %swap3A_595 = arith.index_cast %swap3A_594 : i32 to index
    %swap3A_596 = arith.constant 0 : index
    %swap3A_597 = tpu.vector_load %arg11[%swap3A_595, %swap3A_596] {strides = array<i32>} : memref<4x128xf32, #tpu.memory_space<vmem>>, vector<1x16xf32>,
    %swap3A_598 = vector.shape_cast %swap3A_597 : vector<1x16xf32> to vector<16xf32>
    %swap3A_599 = vector.shape_cast %add3A_593 : vector<16xf32> to vector<1x16xf32>
    tpu.vector_store %arg11[%swap3A_595, %swap3A_596], %swap3A_599 {strides = array<i32>} : memref<4x128xf32, #tpu.memory_space<vmem>>, vector<1x16xf32>,
    %get3A_600 = arith.constant 3 : i32
    %get3A_601 = arith.index_cast %get3A_600 : i32 to index
    %get3A_602 = arith.constant 16 : index
    %get3A_603 = tpu.vector_load %arg9[%get3A_601, %get3A_602] {strides = array<i32>} : memref<4x128xf32, #tpu.memory_space<vmem>>, vector<1x16xf32>,
    %get3A_604 = vector.shape_cast %get3A_603 : vector<1x16xf32> to vector<16xf32>
    %get3A_605 = arith.constant 3 : i32
    %get3A_606 = arith.index_cast %get3A_605 : i32 to index
    %get3A_607 = arith.constant 16 : index
    %get3A_608 = tpu.vector_load %arg10[%get3A_606, %get3A_607] {strides = array<i32>} : memref<4x128xf32, #tpu.memory_space<vmem>>, vector<1x16xf32>,
    %get3A_609 = vector.shape_cast %get3A_608 : vector<1x16xf32> to vector<16xf32>
    %add3A_610 = arith.addf %get3A_604, %get3A_609 : vector<16xf32>
    %swap3A_611 = arith.constant 3 : i32
    %swap3A_612 = arith.index_cast %swap3A_611 : i32 to index
    %swap3A_613 = arith.constant 16 : index
    %swap3A_614 = tpu.vector_load %arg11[%swap3A_612, %swap3A_613] {strides = array<i32>} : memref<4x128xf32, #tpu.memory_space<vmem>>, vector<1x16xf32>,
    %swap3A_615 = vector.shape_cast %swap3A_614 : vector<1x16xf32> to vector<16xf32>
    %swap3A_616 = vector.shape_cast %add3A_610 : vector<16xf32> to vector<1x16xf32>
    tpu.vector_store %arg11[%swap3A_612, %swap3A_613], %swap3A_616 {strides = array<i32>} : memref<4x128xf32, #tpu.memory_space<vmem>>, vector<1x16xf32>,
    %get3A_617 = arith.constant 3 : i32
    %get3A_618 = arith.index_cast %get3A_617 : i32 to index
    %get3A_619 = arith.constant 32 : index
    %get3A_620 = tpu.vector_load %arg9[%get3A_618, %get3A_619] {strides = array<i32>} : memref<4x128xf32, #tpu.memory_space<vmem>>, vector<1x16xf32>,
    %get3A_621 = vector.shape_cast %get3A_620 : vector<1x16xf32> to vector<16xf32>
    %get3A_622 = arith.constant 3 : i32
    %get3A_623 = arith.index_cast %get3A_622 : i32 to index
    %get3A_624 = arith.constant 32 : index
    %get3A_625 = tpu.vector_load %arg10[%get3A_623, %get3A_624] {strides = array<i32>} : memref<4x128xf32, #tpu.memory_space<vmem>>, vector<1x16xf32>,
    %get3A_626 = vector.shape_cast %get3A_625 : vector<1x16xf32> to vector<16xf32>
    %add3A_627 = arith.addf %get3A_621, %get3A_626 : vector<16xf32>
    %swap3A_628 = arith.constant 3 : i32
    %swap3A_629 = arith.index_cast %swap3A_628 : i32 to index
    %swap3A_630 = arith.constant 32 : index
    %swap3A_631 = tpu.vector_load %arg11[%swap3A_629, %swap3A_630] {strides = array<i32>} : memref<4x128xf32, #tpu.memory_space<vmem>>, vector<1x16xf32>,
    %swap3A_632 = vector.shape_cast %swap3A_631 : vector<1x16xf32> to vector<16xf32>
    %swap3A_633 = vector.shape_cast %add3A_627 : vector<16xf32> to vector<1x16xf32>
    tpu.vector_store %arg11[%swap3A_629, %swap3A_630], %swap3A_633 {strides = array<i32>} : memref<4x128xf32, #tpu.memory_space<vmem>>, vector<1x16xf32>,
    %get3A_634 = arith.constant 3 : i32
    %get3A_635 = arith.index_cast %get3A_634 : i32 to index
    %get3A_636 = arith.constant 48 : index
    %get3A_637 = tpu.vector_load %arg9[%get3A_635, %get3A_636] {strides = array<i32>} : memref<4x128xf32, #tpu.memory_space<vmem>>, vector<1x16xf32>,
    %get3A_638 = vector.shape_cast %get3A_637 : vector<1x16xf32> to vector<16xf32>
    %get3A_639 = arith.constant 3 : i32
    %get3A_640 = arith.index_cast %get3A_639 : i32 to index
    %get3A_641 = arith.constant 48 : index
    %get3A_642 = tpu.vector_load %arg10[%get3A_640, %get3A_641] {strides = array<i32>} : memref<4x128xf32, #tpu.memory_space<vmem>>, vector<1x16xf32>,
    %get3A_643 = vector.shape_cast %get3A_642 : vector<1x16xf32> to vector<16xf32>
    %add3A_644 = arith.addf %get3A_638, %get3A_643 : vector<16xf32>
    %swap3A_645 = arith.constant 3 : i32
    %swap3A_646 = arith.index_cast %swap3A_645 : i32 to index
    %swap3A_647 = arith.constant 48 : index
    %swap3A_648 = tpu.vector_load %arg11[%swap3A_646, %swap3A_647] {strides = array<i32>} : memref<4x128xf32, #tpu.memory_space<vmem>>, vector<1x16xf32>,
    %swap3A_649 = vector.shape_cast %swap3A_648 : vector<1x16xf32> to vector<16xf32>
    %swap3A_650 = vector.shape_cast %add3A_644 : vector<16xf32> to vector<1x16xf32>
    tpu.vector_store %arg11[%swap3A_646, %swap3A_647], %swap3A_650 {strides = array<i32>} : memref<4x128xf32, #tpu.memory_space<vmem>>, vector<1x16xf32>,
    %get3A_651 = arith.constant 3 : i32
    %get3A_652 = arith.index_cast %get3A_651 : i32 to index
    %get3A_653 = arith.constant 64 : index
    %get3A_654 = tpu.vector_load %arg9[%get3A_652, %get3A_653] {strides = array<i32>} : memref<4x128xf32, #tpu.memory_space<vmem>>, vector<1x16xf32>,
    %get3A_655 = vector.shape_cast %get3A_654 : vector<1x16xf32> to vector<16xf32>
    %get3A_656 = arith.constant 3 : i32
    %get3A_657 = arith.index_cast %get3A_656 : i32 to index
    %get3A_658 = arith.constant 64 : index
    %get3A_659 = tpu.vector_load %arg10[%get3A_657, %get3A_658] {strides = array<i32>} : memref<4x128xf32, #tpu.memory_space<vmem>>, vector<1x16xf32>,
    %get3A_660 = vector.shape_cast %get3A_659 : vector<1x16xf32> to vector<16xf32>
    %add3A_661 = arith.addf %get3A_655, %get3A_660 : vector<16xf32>
    %swap3A_662 = arith.constant 3 : i32
    %swap3A_663 = arith.index_cast %swap3A_662 : i32 to index
    %swap3A_664 = arith.constant 64 : index
    %swap3A_665 = tpu.vector_load %arg11[%swap3A_663, %swap3A_664] {strides = array<i32>} : memref<4x128xf32, #tpu.memory_space<vmem>>, vector<1x16xf32>,
    %swap3A_666 = vector.shape_cast %swap3A_665 : vector<1x16xf32> to vector<16xf32>
    %swap3A_667 = vector.shape_cast %add3A_661 : vector<16xf32> to vector<1x16xf32>
    tpu.vector_store %arg11[%swap3A_663, %swap3A_664], %swap3A_667 {strides = array<i32>} : memref<4x128xf32, #tpu.memory_space<vmem>>, vector<1x16xf32>,
    %get3A_668 = arith.constant 3 : i32
    %get3A_669 = arith.index_cast %get3A_668 : i32 to index
    %get3A_670 = arith.constant 80 : index
    %get3A_671 = tpu.vector_load %arg9[%get3A_669, %get3A_670] {strides = array<i32>} : memref<4x128xf32, #tpu.memory_space<vmem>>, vector<1x16xf32>,
    %get3A_672 = vector.shape_cast %get3A_671 : vector<1x16xf32> to vector<16xf32>
    %get3A_673 = arith.constant 3 : i32
    %get3A_674 = arith.index_cast %get3A_673 : i32 to index
    %get3A_675 = arith.constant 80 : index
    %get3A_676 = tpu.vector_load %arg10[%get3A_674, %get3A_675] {strides = array<i32>} : memref<4x128xf32, #tpu.memory_space<vmem>>, vector<1x16xf32>,
    %get3A_677 = vector.shape_cast %get3A_676 : vector<1x16xf32> to vector<16xf32>
    %add3A_678 = arith.addf %get3A_672, %get3A_677 : vector<16xf32>
    %swap3A_679 = arith.constant 3 : i32
    %swap3A_680 = arith.index_cast %swap3A_679 : i32 to index
    %swap3A_681 = arith.constant 80 : index
    %swap3A_682 = tpu.vector_load %arg11[%swap3A_680, %swap3A_681] {strides = array<i32>} : memref<4x128xf32, #tpu.memory_space<vmem>>, vector<1x16xf32>,
    %swap3A_683 = vector.shape_cast %swap3A_682 : vector<1x16xf32> to vector<16xf32>
    %swap3A_684 = vector.shape_cast %add3A_678 : vector<16xf32> to vector<1x16xf32>
    tpu.vector_store %arg11[%swap3A_680, %swap3A_681], %swap3A_684 {strides = array<i32>} : memref<4x128xf32, #tpu.memory_space<vmem>>, vector<1x16xf32>,
    %get3A_685 = arith.constant 3 : i32
    %get3A_686 = arith.index_cast %get3A_685 : i32 to index
    %get3A_687 = arith.constant 96 : index
    %get3A_688 = tpu.vector_load %arg9[%get3A_686, %get3A_687] {strides = array<i32>} : memref<4x128xf32, #tpu.memory_space<vmem>>, vector<1x16xf32>,
    %get3A_689 = vector.shape_cast %get3A_688 : vector<1x16xf32> to vector<16xf32>
    %get3A_690 = arith.constant 3 : i32
    %get3A_691 = arith.index_cast %get3A_690 : i32 to index
    %get3A_692 = arith.constant 96 : index
    %get3A_693 = tpu.vector_load %arg10[%get3A_691, %get3A_692] {strides = array<i32>} : memref<4x128xf32, #tpu.memory_space<vmem>>, vector<1x16xf32>,
    %get3A_694 = vector.shape_cast %get3A_693 : vector<1x16xf32> to vector<16xf32>
    %add3A_695 = arith.addf %get3A_689, %get3A_694 : vector<16xf32>
    %swap3A_696 = arith.constant 3 : i32
    %swap3A_697 = arith.index_cast %swap3A_696 : i32 to index
    %swap3A_698 = arith.constant 96 : index
    %swap3A_699 = tpu.vector_load %arg11[%swap3A_697, %swap3A_698] {strides = array<i32>} : memref<4x128xf32, #tpu.memory_space<vmem>>, vector<1x16xf32>,
    %swap3A_700 = vector.shape_cast %swap3A_699 : vector<1x16xf32> to vector<16xf32>
    %swap3A_701 = vector.shape_cast %add3A_695 : vector<16xf32> to vector<1x16xf32>
    tpu.vector_store %arg11[%swap3A_697, %swap3A_698], %swap3A_701 {strides = array<i32>} : memref<4x128xf32, #tpu.memory_space<vmem>>, vector<1x16xf32>,
    %get3A_702 = arith.constant 3 : i32
    %get3A_703 = arith.index_cast %get3A_702 : i32 to index
    %get3A_704 = arith.constant 112 : index
    %get3A_705 = tpu.vector_load %arg9[%get3A_703, %get3A_704] {strides = array<i32>} : memref<4x128xf32, #tpu.memory_space<vmem>>, vector<1x16xf32>,
    %get3A_706 = vector.shape_cast %get3A_705 : vector<1x16xf32> to vector<16xf32>
    %get3A_707 = arith.constant 3 : i32
    %get3A_708 = arith.index_cast %get3A_707 : i32 to index
    %get3A_709 = arith.constant 112 : index
    %get3A_710 = tpu.vector_load %arg10[%get3A_708, %get3A_709] {strides = array<i32>} : memref<4x128xf32, #tpu.memory_space<vmem>>, vector<1x16xf32>,
    %get3A_711 = vector.shape_cast %get3A_710 : vector<1x16xf32> to vector<16xf32>
    %add3A_712 = arith.addf %get3A_706, %get3A_711 : vector<16xf32>
    %swap3A_713 = arith.constant 3 : i32
    %swap3A_714 = arith.index_cast %swap3A_713 : i32 to index
    %swap3A_715 = arith.constant 112 : index
    %swap3A_716 = tpu.vector_load %arg11[%swap3A_714, %swap3A_715] {strides = array<i32>} : memref<4x128xf32, #tpu.memory_space<vmem>>, vector<1x16xf32>,
    %swap3A_717 = vector.shape_cast %swap3A_716 : vector<1x16xf32> to vector<16xf32>
    %swap3A_718 = vector.shape_cast %add3A_712 : vector<16xf32> to vector<1x16xf32>
    tpu.vector_store %arg11[%swap3A_714, %swap3A_715], %swap3A_718 {strides = array<i32>} : memref<4x128xf32, #tpu.memory_space<vmem>>, vector<1x16xf32>,
    "tpu.region"() ({
      %run_scoped3A = tpu.sem_alloc : memref<!tpu.dma_semaphore, #tpu.memory_space<semaphore_mem>>
      %dma_start3A_719 = arith.constant 0 : i32
      %dma_start3A_720 = tpu.memref_slice %arg6[%mul3A_2, %dma_start3A_719] : memref<128x128xf32, #tpu.memory_space<hbm>> -> memref<4x128xf32, #tpu.memory_space<hbm>>
      %dma_start3A_721 = arith.constant 0 : i32
      %dma_start3A_722 = tpu.memref_slice %arg6[%mul3A_2, %dma_start3A_721] : memref<128x128xf32, #tpu.memory_space<hbm>> -> memref<4x128xf32, #tpu.memory_space<hbm>>
      tpu.enqueue_dma source(%arg11 : memref<4x128xf32, #tpu.memory_space<vmem>>) target(%dma_start3A_722 : memref<4x128xf32, #tpu.memory_space<hbm>>) target_semaphore(%run_scoped3A : memref<!tpu.dma_semaphore, #tpu.memory_space<semaphore_mem>>)
      %dma_wait3A_723 = arith.constant 0 : i32
      %dma_wait3A_724 = tpu.memref_slice %arg6[%mul3A_2, %dma_wait3A_723] : memref<128x128xf32, #tpu.memory_space<hbm>> -> memref<4x128xf32, #tpu.memory_space<hbm>>
      %dma_wait3A_725 = arith.constant 0 : i32
      %dma_wait3A_726 = tpu.memref_slice %arg6[%mul3A_2, %dma_wait3A_725] : memref<128x128xf32, #tpu.memory_space<hbm>> -> memref<4x128xf32, #tpu.memory_space<hbm>>
      tpu.wait_dma2 semaphore(%run_scoped3A : memref<!tpu.dma_semaphore, #tpu.memory_space<semaphore_mem>>) src(%arg11 : memref<4x128xf32, #tpu.memory_space<vmem>>) dst(%dma_wait3A_726 : memref<4x128xf32, #tpu.memory_space<hbm>>)
      tpu.yield
    }) : () -> ()
    return
  }
}

module attributes {stable_mosaic.version = 14 : i64} {
  func.func @_tc_body(%arg0: i32, %arg1: memref<32x128x128xf32, #tpu.memory_space<vmem>>, %arg2: memref<1x1x128xf32, #tpu.memory_space<vmem>>, %arg3: memref<1x1xf32, #tpu.memory_space<smem>>, %arg4: memref<32x128xf32, #tpu.memory_space<vmem>>) attributes {dimension_semantics = [#tpu.dimension_semantics<arbitrary>], iteration_bounds = array<i64: 4>, scalar_prefetch = 0 : i64, scratch_operands = 0 : i64, tpu.core_type = #tpu.core_type<tc>, window_params = [{transform_indices = @transform_0, window_bounds = array<i64: 32, 128, 128>}, {pipeline_mode = #tpu.pipeline_mode<synchronous>, transform_indices = @transform_1, window_bounds = array<i64: 1, 1, 128>}, {transform_indices = @transform_2, window_bounds = array<i64: 1, 1>}, {transform_indices = @transform_3, window_bounds = array<i64: 32, 128>}]} {
    %get3A = arith.constant 0 : index
    %get3A_0 = arith.constant 0 : index
    %get3A_1 = arith.constant 0 : index
    %get3A_2 = vector.load %arg1[%get3A, %get3A_0, %get3A_1] : memref<32x128x128xf32, #tpu.memory_space<vmem>>, vector<32x128x128xf32>
    %get3A_3 = arith.constant 0 : index
    %get3A_4 = arith.constant 0 : index
    %get3A_5 = arith.constant 0 : index
    %get3A_6 = vector.load %arg2[%get3A_3, %get3A_4, %get3A_5] : memref<1x1x128xf32, #tpu.memory_space<vmem>>, vector<1x1x128xf32>
    %mul3A = vector.broadcast %get3A_6 : vector<1x1x128xf32> to vector<32x128x128xf32>
    %mul3A_7 = arith.mulf %get3A_2, %mul3A : vector<32x128x128xf32>
    %reduce_sum3A = arith.constant dense<0.000000e+00> : vector<32x128xf32>
    %reduce_sum3A_8 = vector.multi_reduction <add>, %mul3A_7, %reduce_sum3A [2] : vector<32x128x128xf32> to vector<32x128xf32>
    %get3A_9 = arith.constant 0 : index
    %get3A_10 = arith.constant 0 : index
    %get3A_11 = memref.load %arg3[%get3A_9, %get3A_10] : memref<1x1xf32, #tpu.memory_space<smem>>
    %add3A = vector.broadcast %get3A_11 : f32 to vector<32x128xf32>
    %add3A_12 = arith.addf %reduce_sum3A_8, %add3A : vector<32x128xf32>
    %swap3A = arith.constant 0 : index
    %swap3A_13 = arith.constant 0 : index
    %swap3A_14 = vector.load %arg4[%swap3A, %swap3A_13] : memref<32x128xf32, #tpu.memory_space<vmem>>, vector<32x128xf32>
    tpu.vector_store %arg4[%swap3A, %swap3A_13], %add3A_12 {strides = array<i32>} : memref<32x128xf32, #tpu.memory_space<vmem>>, vector<32x128xf32>,
    return
  }
  func.func @transform_0(%arg0: i32) -> (i32, i32, i32) {
    %c0_i32 = arith.constant 0 : i32
    %c0_i32_0 = arith.constant 0 : i32
    %c0_i32_1 = arith.constant 0 : i32
    return %arg0, %c0_i32, %c0_i32_0 : i32, i32, i32
  }
  func.func @transform_1(%arg0: i32) -> (i32, i32, i32) {
    %c0_i32 = arith.constant 0 : i32
    %c0_i32_0 = arith.constant 0 : i32
    %c0_i32_1 = arith.constant 0 : i32
    %c0_i32_2 = arith.constant 0 : i32
    return %c0_i32, %c0_i32_0, %c0_i32_1 : i32, i32, i32
  }
  func.func @transform_2(%arg0: i32) -> (i32, i32) {
    %c0_i32 = arith.constant 0 : i32
    %c0_i32_0 = arith.constant 0 : i32
    %c0_i32_1 = arith.constant 0 : i32
    return %c0_i32, %c0_i32_0 : i32, i32
  }
  func.func @transform_3(%arg0: i32) -> (i32, i32) {
    %c0_i32 = arith.constant 0 : i32
    %c0_i32_0 = arith.constant 0 : i32
    return %arg0, %c0_i32 : i32, i32
  }
}

module attributes {stable_mosaic.version = 14 : i64} {
  func.func @_tc_add_body(%arg0: memref<128x128xf32, #tpu.memory_space<vmem>>, %arg1: memref<128x128xf32, #tpu.memory_space<vmem>>, %arg2: memref<128x128xf32, #tpu.memory_space<vmem>>) attributes {dimension_semantics = [], scalar_prefetch = 0 : i64, scratch_operands = 0 : i64, tpu.core_type = #tpu.core_type<tc>} {
    %get3A = arith.constant 0 : index
    %get3A_0 = arith.constant 0 : index
    %get3A_1 = vector.load %arg0[%get3A, %get3A_0] : memref<128x128xf32, #tpu.memory_space<vmem>>, vector<128x128xf32>
    %get3A_2 = arith.constant 0 : index
    %get3A_3 = arith.constant 0 : index
    %get3A_4 = vector.load %arg1[%get3A_2, %get3A_3] : memref<128x128xf32, #tpu.memory_space<vmem>>, vector<128x128xf32>
    %add3A = arith.addf %get3A_1, %get3A_4 : vector<128x128xf32>
    %swap3A = arith.constant 0 : index
    %swap3A_5 = arith.constant 0 : index
    %swap3A_6 = vector.load %arg2[%swap3A, %swap3A_5] : memref<128x128xf32, #tpu.memory_space<vmem>>, vector<128x128xf32>
    tpu.vector_store %arg2[%swap3A, %swap3A_5], %add3A {strides = array<i32>} : memref<128x128xf32, #tpu.memory_space<vmem>>, vector<128x128xf32>,
    return
  }
}

</mosaic_0001>

<sc_bundles>
// kernel: kernel.5.cloned.1.call-start
scs
__scs_entry_jumppad:
0x0: {  	(pc) =	sbr.rel $0x88, $3  }
0x1: {  	(tag) =	ssettag $0x0;
	lr =	simm.s32 $0x1  }
0x2: {  	[smem:$0x3F9A] =	sst lr;
	_ =	strace $0xD0000000  }
0x3: {  	_ = 	snop  }
0x4: {  	_ = 	snop  }
0x5: {  	_ = 	snop  }
0x6: {  	_ = 	snop  }
0x7: {  	_ = 	snop  }
__scs_overlays_trampoline_lowered:
0x8: {  	[smem:$0x3FA9] =	sst s0  }
0x9: {  	[smem:$0x3FAA] =	sst s1  }
0xa: {  	[smem:$0x3FAB] =	sst s2  }
0xb: {  	[smem:$0x3FAC] =	sst s3  }
0xc: {  	[smem:$0x3FAD] =	sst s4  }
0xd: {  	[smem:$0x3FAE] =	sst s5  }
0xe: {  	[smem:$0x3FAF] =	sst s6  }
0xf: {  	[smem:$0x3FB0] =	sst s7  }
0x10: {  	[smem:$0x3FB1] =	sst s8  }
0x11: {  	[smem:$0x3FB2] =	sst s9;
	s0 =	simm.s32 @!p0 $0x0  }
0x12: {  	s1 =	sld [smem:$0x3F98];
	s0 =	simm.s32 @p0 $0x1  }
0x13: {  	[smem:$0x3FB3] =	sst s0;
	s0 =	simm.s32 @!p1 $0x0  }
0x14: {  	s2 =	sld [smem:$0x3F97];
	s0 =	simm.s32 @p1 $0x1  }
0x15: {  	[smem:$0x3FB4] =	sst s0;
	s0 =	simm.s32 @!p2 $0x0  }
0x16: {  	s3 =	sld [smem:$0x3FDB];
	s0 =	simm.s32 @p2 $0x1  }
0x17: {  	s4 =	simm.s32 $0x1BF5;
	[smem:$0x3FB6] =	sst s0  }
0x18: {  	s0 =	sld [smem:$0x3F99];
	_ =	swait.ge [sflag:s4], $0x0  }
0x19: {  	s7 =	sld [smem:$0x3F9A]  }
0x1a: {  	s8 =	sadd.s32 $0xFFFFE003, lr  }
0x1b: {  	s9 =	sadd.s32 $0xFFFFFEF7, lr;
	s5 =	simm.s32 $0xFFFFFFFF;
	p2 =	slt.u32 s8, $0xFFFFF086  }
0x1c: {  	p1 =	slt.u32 s9, $0xF7A;
	s5 =	simm.s32 @!p2 $0x0  }
0x1d: {  	s5 =	simm.s32 @p1 $0x1;
	p0 =	seq.s32 s7, s2  }
0x1e: {  	s7 =	smul.u32 @!p0 $0xF7A, s2;
	p2 =	seq.s32 @!p0 s5, $0x0  }
0x1f: {  	s9 =	smul.u32 $0xF7A, s1;
	s8 =	simm.s32 @!p0 $0x1BF5;
	p2 =	por !p2, p0  }
0x20: {  	[sflag:s8] =	ssyncset.s32 @!p0 $0xFFFFF086;
	s6 =	sadd.s32 @!p0 s3, s7;
	s7 =	simm.s32 @!p0 $0x108  }
0x21: {  	s3 =	sadd.s32 s3, s9;
	s6 =	sadd.s32 @!p0 $0x88, s6;
	s7 =	simm.s32 @p2 $0x1082  }
0x22: {  	[simem:s7], [sflag:s8] =	dma.local @!p0 [hbm:s6], $0xF7A  }
0x23: {  	s9 =	sor.u32 $0xD0000000, s2;
	s6 =	simm.s32 $0x108;
	_ =	swait.ge @!p0 [sflag:s8], $0x0  }
0x24: {  	s3 =	sadd.s32 $0x88, s3;
	s6 =	simm.s32 @!p1 $0x1082;
	[sflag:s4] =	ssyncset.s32 $0xFFFFF086  }
0x25: {  	[simem:s6], [sflag:s4] =	dma.local [hbm:s3], $0xF7A  }
0x26: {  	[smem:$0x3F9A] =	sst s1;
	(tag) =	ssettag s2;
	_ =	strace s9  }
0x27: {  	s1 =	sld [smem:$0x3FAA]  }
0x28: {  	s2 =	sld [smem:$0x3FAB]  }
0x29: {  	s4 =	sld [smem:$0x3FAD]  }
0x2a: {  	p0 =	seq.s32 s5, $0x0;
	s5 =	sld [smem:$0x3FAE]  }
0x2b: {  	s6 =	sld [smem:$0x3FAF]  }
0x2c: {  	s7 =	sld [smem:$0x3FB0]  }
0x2d: {  	s3 =	simm.s32 $0x108;
	s8 =	sld [smem:$0x3FB1]  }
0x2e: {  	s3 =	simm.s32 @!p0 $0x1082;
	s9 =	sld [smem:$0x3FB2]  }
0x2f: {  	lr =	sadd.s32 s0, s3;
	s0 =	sld [smem:$0x3FA9]  }
0x30: {  	s3 =	sld [smem:$0x3FAC]  }
0x31: {  	[smem:$0x3FB5] =	sst s10  }
0x32: {  	s10 =	sld [smem:$0x3FB3];
	_ =	sdelay $0x3  }
0x33: {  	p0 =	seq.s32 s10, $0x1;
	s10 =	sld [smem:$0x3FB5];
	_ =	sdelay $0x3  }
0x34: {  	[smem:$0x3FB5] =	sst s10  }
0x35: {  	s10 =	sld [smem:$0x3FB4];
	_ =	sdelay $0x3  }
0x36: {  	p1 =	seq.s32 s10, $0x1;
	s10 =	sld [smem:$0x3FB5];
	_ =	sdelay $0x3  }
0x37: {  	[smem:$0x3FB5] =	sst s10  }
0x38: {  	s10 =	sld [smem:$0x3FB6]  }
0x39: {  	_ = 	snop;
	(pc) =	sbr.ind lr, $3  }
0x3a: {  	_ = 	snop  }
0x3b: {  	_ = 	snop  }
0x3c: {  	p2 =	seq.s32 s10, $0x1;
	s10 =	sld [smem:$0x3FB5]  }
0x3d: {  	_ =	shalt  }
0x3e: {  	_ =	shalt  }
0x3f: {  	_ =	shalt  }
0x40: {  	_ =	shalt  }
0x41: {  	_ =	shalt  }
0x42: {  	_ =	shalt  }
0x43: {  	_ =	shalt  }
0x44: {  	_ =	shalt  }
0x45: {  	_ =	shalt  }
0x46: {  	_ =	shalt  }
0x47: {  	_ =	shalt  }
0x48: {  	_ =	shalt  }
0x49: {  	_ =	shalt  }
0x4a: {  	_ =	shalt  }
0x4b: {  	_ =	shalt  }
0x4c: {  	_ =	shalt  }
0x4d: {  	_ =	shalt  }
0x4e: {  	_ =	shalt  }
0x4f: {  	_ =	shalt  }
0x50: {  	_ =	shalt  }
0x51: {  	_ =	shalt  }
0x52: {  	_ =	shalt  }
0x53: {  	_ =	shalt  }
0x54: {  	_ =	shalt  }
0x55: {  	_ =	shalt  }
0x56: {  	_ =	shalt  }
0x57: {  	_ =	shalt  }
0x58: {  	_ =	shalt  }
0x59: {  	_ =	shalt  }
0x5a: {  	_ =	shalt  }
0x5b: {  	_ =	shalt  }
0x5c: {  	_ =	shalt  }
0x5d: {  	_ =	shalt  }
0x5e: {  	_ =	shalt  }
0x5f: {  	_ =	shalt  }
0x60: {  	_ =	shalt  }
0x61: {  	_ =	shalt  }
0x62: {  	_ =	shalt  }
0x63: {  	_ =	shalt  }
0x64: {  	_ =	shalt  }
0x65: {  	_ =	shalt  }
0x66: {  	_ =	shalt  }
0x67: {  	_ =	shalt  }
0x68: {  	_ =	shalt  }
0x69: {  	_ =	shalt  }
0x6a: {  	_ =	shalt  }
0x6b: {  	_ =	shalt  }
0x6c: {  	_ =	shalt  }
0x6d: {  	_ =	shalt  }
0x6e: {  	_ =	shalt  }
0x6f: {  	_ =	shalt  }
0x70: {  	_ =	shalt  }
0x71: {  	_ =	shalt  }
0x72: {  	_ =	shalt  }
0x73: {  	_ =	shalt  }
0x74: {  	_ =	shalt  }
0x75: {  	_ =	shalt  }
0x76: {  	_ =	shalt  }
0x77: {  	_ =	shalt  }
0x78: {  	_ =	shalt  }
0x79: {  	_ =	shalt  }
0x7a: {  	_ =	shalt  }
0x7b: {  	_ =	shalt  }
0x7c: {  	_ =	shalt  }
0x7d: {  	_ =	shalt  }
0x7e: {  	_ =	shalt  }
0x7f: {  	_ =	shalt  }
0x80: {  	_ =	shalt  }
0x81: {  	_ =	shalt  }
0x82: {  	_ =	shalt  }
0x83: {  	_ =	shalt  }
0x84: {  	_ =	shalt  }
0x85: {  	_ =	shalt  }
0x86: {  	_ =	shalt  }
0x87: {  	_ =	shalt  }
.Lfunc_end0:
.L_simem_size_0:
called_computation_lowered:
.L_overlay_start_0:
0x88: {  	s2 =	sld [smem:$0x3FD9]  }
0x89: {  	s3 =	sld [smem:$0x3FFE];
	_ =	sdelay $0x1  }
0x8a: {  	s1 =	srdreg.scid  }
0x8b: {  	s0 =	sand.u32 $0x1, s1  }
0x8c: {  	s17 =	sshll.u32 s0, $0xA;
	s2 =	sadd.s32 s3, s2  }
0x8d: {  	s2 =	sadd.s32 s2, s17  }
0x8e: {  	[smem:$0x3FC1] =	sst s2  }
0x8f: {  	_ = 	snop  }
0x90: {  	s2 =	sld [smem:$0x3FC8]  }
0x91: {  	s18 =	sld [smem:$0x3FC7]  }
0x92: {  	s4 =	sld [smem:$0x3FD0];
	(tm) =	ssettm $0x1  }
0x93: {  	s5 =	sld [smem:$0x3FFB];
	_ =	sdelay $0x3  }
0x94: {  	_ =	strace s5  }
0x95: {  	s5 =	sld [smem:$0x3FFC];
	_ =	sdelay $0x3  }
0x96: {  	_ =	strace s5  }
0x97: {  	s5 =	sld [smem:$0x3FFD];
	_ =	sdelay $0x3  }
0x98: {  	_ =	strace s5  }
0x99: {  	_ =	strace $0x8FFFFFFF  }
0x9a: {  	s19 =	sld [smem:$0x3FDB];
	_ =	sdelay $0x1  }
0x9b: {  	s6 =	simm.s32 $_scs_section_size  }
0x9c: {  	s7 =	simm.s32 $_size__tile_overlayer_lowered;
	s8 =	simm.s32 $_tile_overlayer_lowered  }
0x9d: {  	s22 =	simm.s32 $0x1BFF;
	s21 =	sshll.u32 s8, $0x1;
	s5 =	sadd.s32 s6, s19  }
0x9e: {  	s9 =	simm.s32 $0x0;
	s20 =	sshll.u32 s7, $0x1;
	s7 =	sadd.s32 s21, s5  }
0x9f: {  	[timem:s9], [sflag:s22] =	dma.local [hbm:s7], s20  }
0xa0: {  	_ =	swait.ge [sflag:s22], s20  }
0xa1: {  	s6 =	ssub.s32 $0x0, s20;
	[sflag:s22] =	ssyncset.done $0x0  }
0xa2: {  	[sflag:s22] =	ssyncadd.s32 s6;
	_ =	sdelay $0x1  }
0xa3: {  	s23 =	simm.s32 $0x1B8B  }
0xa4: {  	_ =	swait.ge [sflag:s23], $0x1  }
0xa5: {  	[sflag:s23] =	ssyncset.done $0x0  }
0xa6: {  	s25 =	simm.s32 $0x1B8E;
	s24 =	sld [smem:$0x3FFE];
	[sflag:s23] =	ssyncadd.s32 $0xFFFFFFFF  }
0xa7: {  	s26 =	simm.s32 $execute0_lowered;
	[smem:$0x3FD2] =	sst s25  }
0xa8: {  	s7 =	sshll.u32 s26, $0x1;
	_ =	strace $0x80000046;
	[dreg:$0x1] =	wrdreg $0xFFFFFFFF  }
0xa9: {  	s28 =	simm.s32 $_size_execute0_lowered;
	s5 =	sadd.s32 s5, s7;
	[dreg:$0x0] =	wrdreg $0x0  }
0xaa: {  	s7 =	sshll.u32 s28, $0x1;
	[dreg:$0x2] =	wrdreg s5  }
0xab: {  	[dreg:$0x3] =	wrdreg s7  }
0xac: {  	[dreg:$0x4] =	wrdreg $0xC0  }
0xad: {  	_ =	task [dreg:s9], $0x5FFFF  }
0xae: {  	[dreg:$0x1] =	wrdreg $0xFFFFFFFF  }
0xaf: {  	[dreg:$0x0] =	wrdreg $0x60  }
0xb0: {  	[dreg:$0x2] =	wrdreg s2  }
0xb1: {  	[dreg:$0x3] =	wrdreg s18  }
0xb2: {  	[dreg:$0x4] =	wrdreg s24  }
0xb3: {  	[dreg:$0x5] =	wrdreg s4  }
0xb4: {  	[dreg:$0x6] =	wrdreg $0x9  }
0xb5: {  	_ =	task.clear_ibuf [dreg:s9], $0x7FFFF;
	_ =	strace $0x90000046  }
0xb6: {  	s29 =	simm.s32 $0x9;
	_ =	strace $0x80000048  }
0xb7: {  	_ =	swait.ge [sflag:s29], $0x1  }
0xb8: {  	[sflag:s29] =	ssyncadd.s32 $0xFFFFFFFF  }
0xb9: {  	_ =	strace $0x90000048  }
0xba: {  	_ =	sfence  }
0xbb: {  	s30 =	sld [smem:$0x0];
	_ =	sdelay $0x2  }
0xbc: {  	s31 =	sshll.u32 s1, $0xD;
	s1 =	sshrl.u32 s1, $0x2  }
0xbd: {  	s3 =	sand.u32 $0x4000, s31;
	s1 =	sadd.s32 s1, s30  }
0xbe: {  	s0 =	sor.u32 s3, s0;
	s1 =	sshll.u32 s1, $0x11  }
0xbf: {  	s0 =	sor.u32 s1, s0  }
0xc0: {  	s0 =	sadd.s32 $0x8F2B, s0  }
0xc1: {  	[sflag:s0] =	ssyncadd.remote.s32 $0x1  }
0xc2: {  	_ =	sfence.sel $0xFFFF  }
0xc3: {  	[dreg:$0x0] =	wrdreg $0xFFFFFFFF;
	(pc) =	sbr.abs _section_cstart, $3  }
0xc4: {  	[dreg:$0x1] =	wrdreg $0xFFFFFFFF  }
0xc5: {  	_ =	task.clear_ibuf [dreg:s9], $0x2FFFF;
	_ =	strace $0x9FFFFFFF  }
0xc6: {  	(tm) =	ssettm $0x7FFFFFFF  }
0xc7: {  	_ =	shalt  }
tec
execute0_lowered:
.L_overlay_start_1:
0x0: {  	(tag) =	ssettag $0x1  }
0x1: {  	s5 =	rddreg [dreg:$0x0]  }
0x2: {  	s6 =	rddreg [dreg:$0x1]  }
0x3: {  	s4 =	rddreg [dreg:$0x2]  }
0x4: {  	s7 =	rddreg [dreg:$0x3]  }
0x5: {  	s0 =	rddreg [dreg:$0x4];
	s1 =	simm.s32 $0x0  }
0x6: {  	s8 =	srdreg.scid;
	s2 =	stileid.u32;
	s12 =	simm.s32 $0x400  }
0x7: {  	s13 =	simm.s32 $0x600;
	s14 =	simm.s32 $0x480;
	s15 =	simm.s32 $0x280  }
0x8: {  	s16 =	simm.s32 $0x680;
	s17 =	simm.s32 $0x100;
	s18 =	simm.s32 $0x500  }
0x9: {  	s19 =	simm.s32 $0x300;
	s20 =	simm.s32 $0x700;
	s21 =	simm.s32 $0x180  }
0xa: {  	s22 =	simm.s32 $0x580;
	s23 =	simm.s32 $0x380;
	s24 =	simm.s32 $0x780  }
0xb: {  	s25 =	simm.s32 $0x2;
	s26 =	simm.s32 $0x800;
	s28 =	simm.s32 $0x3  }
0xc: {  	[smem:$0x7FF] =	sst s1;
	s3 =	sadd.s32 $0x1200, s4;
	s8 =	sand.u32 $0x1, s8  }
0xd: {  	s10 =	sshll.u32 s2, $0x7;
	s4 =	sadd.s32 $0x21200, s4;
	s9 =	ssub.s32 $0x2, s8  }
0xe: {  	_ =	strace $0x80000047;
	s8 =	sshll.u32 s8, $0x6;
	s11 =	sshrl.u32 s9, $0x1  }
0xf: {  	s8 =	sor.u32 s8, s10;
	s10 =	simm.s32 $0x1;
	s9 =	ssub.s32 s9, s11  }
0x10: {  	s5 =	sadd.s32 s5, s8;
	s6 =	sadd.s32 s6, s8;
	s7 =	sadd.s32 s7, s8  }
0x11: {  	s11 =	simm.s32 $0x80;
	s8 =	smax.u32 s9, $0x1;
	s9 =	simm.s32 $0x200  }
.LBB2_1:
0x12: {  	[tilespmem:s1], [sflag:$0x1] =	stream.linear.gather [hbm4b:s5+s1], $0x200, $0x38;
	[tilespmem:$0xA00] =	vst v63  }
0x13: {  	_ = 	snop  }
0x14: {  	[tilespmem:s9], [sflag:$0x1] =	stream.linear.gather [hbm4b:s6+s1], $0x200, $0x38;
	[tilespmem:$0xA00] =	vst v63  }
0x15: {  	_ =	swait.ge [sflag:s10], $0x200  }
0x16: {  	[sflag:s10] =	ssyncset.done $0x0  }
0x17: {  	[sflag:s10] =	ssyncadd.s32 $0xFFFFFE00  }
0x18: {  	_ =	swait.ge [sflag:s10], $0x200  }
0x19: {  	[sflag:s10] =	ssyncset.done $0x0  }
0x1a: {  	[sflag:s10] =	ssyncadd.s32 $0xFFFFFE00  }
0x1b: {  	[tilespmem:s12], [sflag:$0x2] =	stream.indirect.gather [hbm4b:s3+s11], $0x1, s1, s11, $0xb8;
	[tilespmem:$0xA00] =	vst v63  }
0x1c: {  	_ = 	snop  }
0x1d: {  	[tilespmem:s13], [sflag:$0x2] =	stream.indirect.gather [hbm4b:s4+s11], $0x1, s9, s11, $0xb8;
	[tilespmem:$0xA00] =	vst v63  }
0x1e: {  	_ = 	snop  }
0x1f: {  	[tilespmem:s14], [sflag:$0x2] =	stream.indirect.gather [hbm4b:s3+s11], $0x1, s11, s11, $0xb8;
	[tilespmem:$0xA00] =	vst v63  }
0x20: {  	_ = 	snop  }
0x21: {  	[tilespmem:s16], [sflag:$0x2] =	stream.indirect.gather [hbm4b:s4+s11], $0x1, s15, s11, $0xb8;
	[tilespmem:$0xA00] =	vst v63  }
0x22: {  	_ = 	snop  }
0x23: {  	[tilespmem:s18], [sflag:$0x2] =	stream.indirect.gather [hbm4b:s3+s11], $0x1, s17, s11, $0xb8;
	[tilespmem:$0xA00] =	vst v63  }
0x24: {  	_ = 	snop  }
0x25: {  	[tilespmem:s20], [sflag:$0x2] =	stream.indirect.gather [hbm4b:s4+s11], $0x1, s19, s11, $0xb8;
	[tilespmem:$0xA00] =	vst v63  }
0x26: {  	_ = 	snop  }
0x27: {  	[tilespmem:s22], [sflag:$0x2] =	stream.indirect.gather [hbm4b:s3+s11], $0x1, s21, s11, $0xb8;
	[tilespmem:$0xA00] =	vst v63  }
0x28: {  	_ = 	snop  }
0x29: {  	[tilespmem:s24], [sflag:$0x2] =	stream.indirect.gather [hbm4b:s4+s11], $0x1, s23, s11, $0xb8;
	[tilespmem:$0xA00] =	vst v63  }
0x2a: {  	_ =	swait.ge [sflag:s25], $0x80  }
0x2b: {  	[sflag:s25] =	ssyncset.done $0x0  }
0x2c: {  	[sflag:s25] =	ssyncadd.s32 $0xFFFFFF80  }
0x2d: {  	_ =	swait.ge [sflag:s25], $0x80  }
0x2e: {  	[sflag:s25] =	ssyncset.done $0x0  }
0x2f: {  	[sflag:s25] =	ssyncadd.s32 $0xFFFFFF80  }
0x30: {  	_ =	swait.ge [sflag:s25], $0x80  }
0x31: {  	[sflag:s25] =	ssyncset.done $0x0  }
0x32: {  	[sflag:s25] =	ssyncadd.s32 $0xFFFFFF80  }
0x33: {  	_ =	swait.ge [sflag:s25], $0x80  }
0x34: {  	[sflag:s25] =	ssyncset.done $0x0  }
0x35: {  	[sflag:s25] =	ssyncadd.s32 $0xFFFFFF80  }
0x36: {  	_ =	swait.ge [sflag:s25], $0x80  }
0x37: {  	[sflag:s25] =	ssyncset.done $0x0  }
0x38: {  	[sflag:s25] =	ssyncadd.s32 $0xFFFFFF80  }
0x39: {  	_ =	swait.ge [sflag:s25], $0x80  }
0x3a: {  	[sflag:s25] =	ssyncset.done $0x0  }
0x3b: {  	[sflag:s25] =	ssyncadd.s32 $0xFFFFFF80  }
0x3c: {  	_ =	swait.ge [sflag:s25], $0x80  }
0x3d: {  	[sflag:s25] =	ssyncset.done $0x0  }
0x3e: {  	[sflag:s25] =	ssyncadd.s32 $0xFFFFFF80  }
0x3f: {  	_ =	swait.ge [sflag:s25], $0x80  }
0x40: {  	[sflag:s25] =	ssyncset.done $0x0  }
0x41: {  	[sflag:s25] =	ssyncadd.s32 $0xFFFFFF80  }
0x42: {  	v0 =	vld [tilespmem:$0x400]  }
0x43: {  	v1 =	vld [tilespmem:$0x600]  }
0x44: {  	v2 =	vld [tilespmem:$0x410]  }
0x45: {  	v3 =	vld [tilespmem:$0x610]  }
0x46: {  	v4 =	vld [tilespmem:$0x420]  }
0x47: {  	v5 =	vld [tilespmem:$0x620]  }
0x48: {  	v6 =	vld [tilespmem:$0x430]  }
0x49: {  	v7 =	vld [tilespmem:$0x630]  }
0x4a: {  	v8 =	vld [tilespmem:$0x440]  }
0x4b: {  	v9 =	vld [tilespmem:$0x640]  }
0x4c: {  	v10 =	vld [tilespmem:$0x450]  }
0x4d: {  	v11 =	vld [tilespmem:$0x650]  }
0x4e: {  	v12 =	vld [tilespmem:$0x460]  }
0x4f: {  	v13 =	vld [tilespmem:$0x660]  }
0x50: {  	v14 =	vld [tilespmem:$0x470]  }
0x51: {  	v15 =	vld [tilespmem:$0x670]  }
0x52: {  	v16 =	vld [tilespmem:$0x480]  }
0x53: {  	v17 =	vld [tilespmem:$0x680]  }
0x54: {  	v18 =	vld [tilespmem:$0x490]  }
0x55: {  	v19 =	vld [tilespmem:$0x690]  }
0x56: {  	v20 =	vld [tilespmem:$0x4A0]  }
0x57: {  	v21 =	vld [tilespmem:$0x6A0]  }
0x58: {  	v22 =	vld [tilespmem:$0x4B0]  }
0x59: {  	v23 =	vld [tilespmem:$0x6B0]  }
0x5a: {  	v24 =	vld [tilespmem:$0x4C0]  }
0x5b: {  	v25 =	vld [tilespmem:$0x6C0]  }
0x5c: {  	v26 =	vld [tilespmem:$0x4D0]  }
0x5d: {  	v27 =	vld [tilespmem:$0x6D0]  }
0x5e: {  	v28 =	vld [tilespmem:$0x4E0]  }
0x5f: {  	v29 =	vld [tilespmem:$0x6E0]  }
0x60: {  	v30 =	vld [tilespmem:$0x4F0]  }
0x61: {  	v31 =	vld [tilespmem:$0x6F0]  }
0x62: {  	v32 =	vld [tilespmem:$0x500]  }
0x63: {  	v33 =	vld [tilespmem:$0x700]  }
0x64: {  	v34 =	vld [tilespmem:$0x510]  }
0x65: {  	v35 =	vld [tilespmem:$0x710]  }
0x66: {  	v36 =	vld [tilespmem:$0x520]  }
0x67: {  	v46 =	vld [tilespmem:$0x720];
	v0 =	vadd.f32 v1, v0  }
0x68: {  	v47 =	vld [tilespmem:$0x530];
	v2 =	vadd.f32 v3, v2  }
0x69: {  	v49 =	vld [tilespmem:$0x730];
	v48 =	vadd.f32 v5, v4;
	[tilespmem:$0x800] =	vst v0  }
0x6a: {  	v51 =	vld [tilespmem:$0x540];
	v50 =	vadd.f32 v7, v6;
	[tilespmem:$0x810] =	vst v2  }
0x6b: {  	v53 =	vld [tilespmem:$0x740];
	v52 =	vadd.f32 v9, v8;
	[tilespmem:$0x820] =	vst v48  }
0x6c: {  	v55 =	vld [tilespmem:$0x550];
	v54 =	vadd.f32 v11, v10;
	[tilespmem:$0x830] =	vst v50  }
0x6d: {  	v57 =	vld [tilespmem:$0x750];
	v56 =	vadd.f32 v13, v12;
	[tilespmem:$0x840] =	vst v52  }
0x6e: {  	v59 =	vld [tilespmem:$0x560];
	v58 =	vadd.f32 v15, v14;
	[tilespmem:$0x850] =	vst v54  }
0x6f: {  	v61 =	vld [tilespmem:$0x760];
	v60 =	vadd.f32 v17, v16;
	[tilespmem:$0x860] =	vst v56  }
0x70: {  	v63 =	vld [tilespmem:$0x570];
	v62 =	vadd.f32 v19, v18;
	[tilespmem:$0x870] =	vst v58  }
0x71: {  	v37 =	vld [tilespmem:$0x5A0];
	v20 =	vadd.f32 v21, v20;
	[tilespmem:$0x880] =	vst v60  }
0x72: {  	v39 =	vld [tilespmem:$0x7A0];
	v22 =	vadd.f32 v23, v22;
	[tilespmem:$0x890] =	vst v62  }
0x73: {  	v41 =	vld [tilespmem:$0x5B0];
	v24 =	vadd.f32 v25, v24;
	[tilespmem:$0x8A0] =	vst v20  }
0x74: {  	v43 =	vld [tilespmem:$0x7B0];
	v26 =	vadd.f32 v27, v26;
	[tilespmem:$0x8B0] =	vst v22  }
0x75: {  	v45 =	vld [tilespmem:$0x5C0];
	v28 =	vadd.f32 v29, v28;
	[tilespmem:$0x8C0] =	vst v24  }
0x76: {  	v21 =	vld [tilespmem:$0x770];
	v31 =	vadd.f32 v31, v30;
	[tilespmem:$0x8D0] =	vst v26  }
0x77: {  	v23 =	vld [tilespmem:$0x580];
	v38 =	vadd.f32 v33, v32;
	[tilespmem:$0x8E0] =	vst v28  }
0x78: {  	v25 =	vld [tilespmem:$0x780];
	v40 =	vadd.f32 v35, v34;
	[tilespmem:$0x8F0] =	vst v31  }
0x79: {  	v27 =	vld [tilespmem:$0x590];
	v42 =	vadd.f32 v46, v36;
	[tilespmem:$0x900] =	vst v38  }
0x7a: {  	v29 =	vld [tilespmem:$0x790];
	v44 =	vadd.f32 v49, v47;
	[tilespmem:$0x910] =	vst v40  }
0x7b: {  	v46 =	vadd.f32 v53, v51;
	v47 =	vld [tilespmem:$0x7C0];
	[tilespmem:$0x920] =	vst v42  }
0x7c: {  	v49 =	vld [tilespmem:$0x5D0];
	v1 =	vadd.f32 v43, v41;
	[tilespmem:$0x930] =	vst v44  }
0x7d: {  	v51 =	vld [tilespmem:$0x7D0];
	v48 =	vadd.f32 v57, v55;
	[tilespmem:$0x940] =	vst v46  }
0x7e: {  	v53 =	vld [tilespmem:$0x5E0];
	v50 =	vadd.f32 v61, v59;
	[tilespmem:$0x9B0] =	vst v1  }
0x7f: {  	v55 =	vld [tilespmem:$0x7E0];
	v58 =	vadd.f32 v39, v37;
	[tilespmem:$0x950] =	vst v48  }
0x80: {  	v57 =	vld [tilespmem:$0x5F0];
	[tilespmem:$0x960] =	vst v50;
	v52 =	vadd.f32 v21, v63  }
0x81: {  	v59 =	vld [tilespmem:$0x7F0];
	[tilespmem:$0x9A0] =	vst v58;
	v54 =	vadd.f32 v25, v23  }
0x82: {  	v56 =	vadd.f32 v29, v27;
	[tilespmem:$0x970] =	vst v52  }
0x83: {  	v60 =	vadd.f32 v47, v45;
	[tilespmem:$0x980] =	vst v54  }
0x84: {  	v61 =	vadd.f32 v51, v49;
	[tilespmem:$0x990] =	vst v56  }
0x85: {  	[tilespmem:$0x9C0] =	vst v60;
	v62 =	vadd.f32 v55, v53  }
0x86: {  	[tilespmem:$0x9D0] =	vst v61;
	v63 =	vadd.f32 v59, v57  }
0x87: {  	p0 =	sne.s32 s8, $0x1;
	[tilespmem:$0x9E0] =	vst v62  }
.Ltmp0:
0x88: {  	[tilespmem:$0x9F0] =	vst v63;
	(pc) =	sbr.rel @p0 .LBB2_1-.Ltmp0, $4  }
0x89: {  	[hbm4b:s7+s1] =	stream.linear.scatter [tilespmem:s26], [sflag:$0x3], $0x200, $0x38;
	[tilespmem:$0xA00] =	vst v63  }
0x8a: {  	_ =	swait.ge [sflag:s28], $0x200  }
0x8b: {  	[sflag:s28] =	ssyncset.done $0x0  }
0x8c: {  	s8 =	sadd.s32 $0xFFFFFFFF, s8;
	[sflag:s28] =	ssyncadd.s32 $0xFFFFFE00  }
0x8d: {  	_ =	sfence.sel $0x180000  }
0x8e: {  	[bflag:$0x0] =	sbarrier.arrive $0xFFFF  }
0x8f: {  	p0 =	sne.s32 s2, $0x0;
	_ =	strace $0x90000047  }
0x90: {  	s0 =	sadd.s32 @!p0 $0x100000, s0;
	[bflag:$0x2] =	sbarrier.arrive $0xFFFF  }
0x91: {  	[sflag:s0] =	ssyncadd.tile.s32 @!p0 $0x1;
	_ =	shalt  }
.Lfunc_end2:
_tile_overlayer_lowered:
.L_overlay_start_2:
0x92: {  	(tag) =	ssettag $0x2  }
0x93: {  	s0 =	rddreg [dreg:$0x0];
	s2 =	stileid.u32  }
0x94: {  	s1 =	rddreg [dreg:$0x1];
	p0 =	sne.s32 s2, $0x0  }
0x95: {  	s3 =	rddreg [dreg:$0x2];
	[bflag:$0x3] =	sbarrier.arrive $0xFFFF;
	s2 =	simm.s32 @!p0 $0x1C03  }
0x96: {  	[timem:s3], [sflag:s2] =	dma.local @!p0 [hbm:s0], s1  }
0x97: {  	s0 =	simm.s32 @!p0 $0x3  }
0x98: {  	_ =	swait.ge @!p0 [sflag:s0], s1  }
0x99: {  	s1 =	ssub.s32 @!p0 $0x0, s1;
	[sflag:s0] =	ssyncset.done @!p0 $0x0  }
0x9a: {  	[sflag:s0] =	ssyncadd.s32 @!p0 s1  }
0x9b: {  	[bflag:$0x3] =	sbarrier.arrive $0xFFFF  }
0x9c: {  	_ =	shalt  }

</sc_bundles>
